<compile_context>
chip_gen: v7x
topology: tpu7x:2x2x1
jax: 0.10.2.dev20260603
libtpu: 0.0.44.dev20260713+nightly
codegen_flags: <defaults>
</compile_context>

<pallas_src>
import functools

import jax
import jax.numpy as jnp
from jax import lax
from jax.experimental import pallas as pl
from jax.experimental.pallas import tpu as pltpu
from jax.experimental.pallas import tpu_sc as plsc

N = 10000
E = 320000
F_IN = 128
HID = 32
F_OUT = 16
NC, NS, L = 2, 16, 16
NW = NC * NS
CH = 128
NCH = E // CH
KB = 80
KT = NCH - KB * (NW - 1)
KTU = -(-KT // 8) * 8
N_ACC = 10240
RPT = N_ACC // NS
ZR = 40
NB = 6
NR4 = N_ACC // 4
XR4 = N // 4
NR8 = N_ACC // 8
MGRID, MBR = 8, N_ACC // 4 // 8
DGRID, DBR = 5, N_ACC // 8 // 5

_MESH = plsc.VectorSubcoreMesh(core_axis_name="c", subcore_axis_name="s")


@functools.partial(
    pl.kernel,
    out_type=jax.ShapeDtypeStruct((NC, N_ACC, HID), jnp.float32),
    mesh=_MESH,
    scratch_types=[
        pltpu.VMEM((KB * CH,), jnp.int32),
        pltpu.VMEM((CH, HID), jnp.float32),
        pltpu.VMEM((ZR, HID), jnp.float32),
        pltpu.VMEM_SHARED((N_ACC, HID), jnp.float32),
        pltpu.SemaphoreType.DMA,
    ],
    compiler_params=pltpu.CompilerParams(use_tc_tiling_on_sc=False),
)
def _deg_kernel(dstr, out, dst_v, ones_m, zbuf, acc, ssem):
    c = lax.axis_index("c")
    s = lax.axis_index("s")
    wid = s * NC + c
    start = KB * wid
    kw = jnp.where(wid < NW - 1, KB, KT)

    def _fill(i, _):
        ones_m[i // 2, pl.ds((i % 2) * L, L)] = jnp.full((L,), 1.0, jnp.float32)
        return 0

    lax.fori_loop(0, CH * (HID // L), _fill, 0)

    def _zb(i, _):
        zbuf[i // 2, pl.ds((i % 2) * L, L)] = jnp.zeros((L,), jnp.float32)
        return 0

    lax.fori_loop(0, ZR * (HID // L), _zb, 0)

    def _zc(j, _):
        pltpu.sync_copy(zbuf, acc.at[pl.ds(s * RPT + j * ZR, ZR)])
        return 0

    lax.fori_loop(0, RPT // ZR, _zc, 0)

    @pl.when(wid < NW - 1)
    def _():
        pltpu.sync_copy(dstr.at[pl.ds(start * CH, KB * CH)], dst_v)

    @pl.when(wid == NW - 1)
    def _():
        pltpu.sync_copy(dstr.at[pl.ds(start * CH, KTU * CH)], dst_v.at[pl.ds(0, KTU * CH)])

    plsc.subcore_barrier()

    def _scat(k, _):
        @pl.when(k >= 4)
        def _():
            pltpu.make_async_copy(ones_m, acc.at[dst_v.at[pl.ds((k - 4) * CH, CH)]], ssem).wait()

        pltpu.async_copy(ones_m, acc.at[dst_v.at[pl.ds(k * CH, CH)]], ssem, add=True)
        return 0

    lax.fori_loop(0, kw, _scat, 0)

    def _drain(k, _):
        pltpu.make_async_copy(ones_m, acc.at[dst_v.at[pl.ds(k * CH, CH)]], ssem).wait()
        return 0

    lax.fori_loop(kw - 4, kw, _drain, 0)
    plsc.subcore_barrier()
    pltpu.sync_copy(acc.at[pl.ds(s * RPT, RPT)], out.at[c, pl.ds(s * RPT, RPT)])


@functools.partial(
    pl.kernel,
    out_type=jax.ShapeDtypeStruct((NC, N_ACC, HID), jnp.float32),
    mesh=_MESH,
    scratch_types=[
        pltpu.VMEM((KB * CH,), jnp.int32),
        pltpu.VMEM((KB * CH,), jnp.int32),
        pltpu.VMEM((NB, CH, HID), jnp.float32),
        pltpu.VMEM((ZR, HID), jnp.float32),
        pltpu.VMEM_SHARED((N_ACC, HID), jnp.float32),
        pltpu.SemaphoreType.DMA,
        pltpu.SemaphoreType.DMA,
    ],
    compiler_params=pltpu.CompilerParams(use_tc_tiling_on_sc=False),
)
def _spmm_kernel(table, srcr, dstr, out, src_v, dst_v, rowbuf, zbuf, acc, gsem, ssem):
    c = lax.axis_index("c")
    s = lax.axis_index("s")
    wid = s * NC + c
    start = KB * wid
    kw = jnp.where(wid < NW - 1, KB, KT)

    def _zb(i, _):
        zbuf[i // 2, pl.ds((i % 2) * L, L)] = jnp.zeros((L,), jnp.float32)
        return 0

    lax.fori_loop(0, ZR * (HID // L), _zb, 0)

    def _zc(j, _):
        pltpu.sync_copy(zbuf, acc.at[pl.ds(s * RPT + j * ZR, ZR)])
        return 0

    lax.fori_loop(0, RPT // ZR, _zc, 0)
    @pl.when(wid < NW - 1)
    def _():
        pltpu.sync_copy(srcr.at[pl.ds(start * CH, KB * CH)], src_v)
        pltpu.sync_copy(dstr.at[pl.ds(start * CH, KB * CH)], dst_v)

    @pl.when(wid == NW - 1)
    def _():
        pltpu.sync_copy(srcr.at[pl.ds(start * CH, KTU * CH)], src_v.at[pl.ds(0, KTU * CH)])
        pltpu.sync_copy(dstr.at[pl.ds(start * CH, KTU * CH)], dst_v.at[pl.ds(0, KTU * CH)])

    plsc.subcore_barrier()

    for j in range(NB - 2):
        pltpu.async_copy(table.at[src_v.at[pl.ds(j * CH, CH)]], rowbuf.at[j], gsem)

    def _mb(k, _):
        b = lax.rem(k, NB)
        pb = lax.rem(k + NB - 2, NB)

        @pl.when(k >= 2)
        def _():
            pltpu.make_async_copy(rowbuf.at[pb], acc.at[dst_v.at[pl.ds((k - 2) * CH, CH)]], ssem).wait()

        @pl.when(k + NB - 2 < kw)
        def _():
            pltpu.async_copy(table.at[src_v.at[pl.ds((k + NB - 2) * CH, CH)]], rowbuf.at[pb], gsem)

        pltpu.make_async_copy(table.at[src_v.at[pl.ds(k * CH, CH)]], rowbuf.at[b], gsem).wait()
        pltpu.async_copy(rowbuf.at[b], acc.at[dst_v.at[pl.ds(k * CH, CH)]], ssem, add=True)
        return 0

    lax.fori_loop(0, kw, _mb, 0)
    pltpu.make_async_copy(rowbuf.at[lax.rem(kw - 2, NB)], acc.at[dst_v.at[pl.ds((kw - 2) * CH, CH)]], ssem).wait()
    pltpu.make_async_copy(rowbuf.at[lax.rem(kw - 1, NB)], acc.at[dst_v.at[pl.ds((kw - 1) * CH, CH)]], ssem).wait()
    plsc.subcore_barrier()
    pltpu.sync_copy(acc.at[pl.ds(s * RPT, RPT)], out.at[c, pl.ds(s * RPT, RPT)])


def _mm_body(x_ref, w1_ref, p_ref):
    p_ref[...] = jnp.dot(x_ref[...], w1_ref[...],
                         preferred_element_type=jnp.float32)


_mm = pl.pallas_call(
    _mm_body,
    out_shape=jax.ShapeDtypeStruct((XR4, 128), jnp.float32),
)


def _enc_body(degp_ref, p_ref, pt_ref, dinv_ref):
    deg4 = degp_ref[0] + degp_ref[1] + 1.0
    dinv4 = lax.rsqrt(jnp.maximum(deg4, 1.0))
    pt_ref[pl.ds(0, XR4)] = p_ref[...] * dinv4[:XR4]
    dinv_ref[...] = dinv4


_enc = pl.pallas_call(
    _enc_body,
    out_shape=[
        jax.ShapeDtypeStruct((NR4, 128), jnp.float32),
        jax.ShapeDtypeStruct((NR4, 128), jnp.float32),
    ],
)


def _mid_body(y_ref, pt_ref, dinv_ref, b1_ref, ht_ref):
    t = y_ref[0] + y_ref[1] + pt_ref[...]
    dinv = dinv_ref[...]
    h = jnp.maximum(dinv * t + b1_ref[...], 0.0)
    ht_ref[...] = h * dinv


_mid = pl.pallas_call(
    _mid_body,
    grid=(MGRID,),
    in_specs=[
        pl.BlockSpec((2, MBR, 128), lambda i: (0, i, 0)),
        pl.BlockSpec((MBR, 128), lambda i: (i, 0)),
        pl.BlockSpec((MBR, 128), lambda i: (i, 0)),
        pl.BlockSpec((1, 128), lambda i: (0, 0)),
    ],
    out_specs=pl.BlockSpec((MBR, 128), lambda i: (i, 0)),
    out_shape=jax.ShapeDtypeStruct((NR4, 128), jnp.float32),
)


def _dec_body(z_ref, ht_ref, dinv_ref, wmu_ref, bmu_ref, wls_ref, bls_ref,
              eps_ref, z8_ref):
    agg = dinv_ref[...] * (z_ref[0] + z_ref[1] + ht_ref[...])
    mu = jnp.dot(agg, wmu_ref[...], preferred_element_type=jnp.float32) + bmu_ref[...]
    ls = jnp.dot(agg, wls_ref[...], preferred_element_type=jnp.float32) + bls_ref[...]
    z8_ref[...] = mu + eps_ref[...] * jnp.exp(ls)


_dec = pl.pallas_call(
    _dec_body,
    grid=(DGRID,),
    in_specs=[
        pl.BlockSpec((2, DBR, 256), lambda i: (0, i, 0)),
        pl.BlockSpec((DBR, 256), lambda i: (i, 0)),
        pl.BlockSpec((DBR, 256), lambda i: (i, 0)),
        pl.BlockSpec((256, 128), lambda i: (0, 0)),
        pl.BlockSpec((1, 128), lambda i: (0, 0)),
        pl.BlockSpec((256, 128), lambda i: (0, 0)),
        pl.BlockSpec((1, 128), lambda i: (0, 0)),
        pl.BlockSpec((DBR, 128), lambda i: (i, 0)),
    ],
    out_specs=pl.BlockSpec((DBR, 128), lambda i: (i, 0)),
    out_shape=jax.ShapeDtypeStruct((NR8, 128), jnp.float32),
)


def kernel(x, edge_index, W1, b1, Wmu, bmu, Wls, bls, eps):
    srcr = edge_index[0]
    dstr = edge_index[1]
    x4 = x.reshape(XR4, 4 * F_IN)
    f32 = jnp.float32
    w1b = jnp.kron(jnp.eye(4, dtype=f32), W1)
    wmub = jnp.kron(jnp.eye(8, dtype=f32), Wmu)
    wlsb = jnp.kron(jnp.eye(8, dtype=f32), Wls)
    b1b = jnp.tile(b1, 4)[None, :]
    bmub = jnp.tile(bmu, 8)[None, :]
    blsb = jnp.tile(bls, 8)[None, :]
    eps8 = jnp.pad(eps.reshape(N // 8, 128), ((0, NR8 - N // 8), (0, 0)))

    p4 = _mm(x4, w1b)
    degp = _deg_kernel(dstr)
    pt4, dinv4 = _enc(degp.reshape(NC, NR4, 128), p4)
    y = _spmm_kernel(pt4.reshape(N_ACC, HID), srcr, dstr)
    ht4 = _mid(y.reshape(NC, NR4, 128), pt4, dinv4, b1b)
    z2 = _spmm_kernel(ht4.reshape(N_ACC, HID), srcr, dstr)
    z8 = _dec(z2.reshape(NC, NR8, 256), ht4.reshape(NR8, 256),
              dinv4.reshape(NR8, 256), wmub, bmub, wlsb, blsb, eps8)
    return z8[:N // 8].reshape(N, F_OUT)

# --- scband reference (transcript-rebuilt; emitter-appended) ---
"""Pipeline reference for scband-vgae-80522046866107 (READ-ONLY COPY).

The authoritative reference and input builder live on the scoring server;
editing this copy changes nothing except your own understanding.
"""

import jax, jax.numpy as jnp
import numpy as np


def _gcn_layer(h, W, b, src, dst, norm, num_nodes):
    h = h @ W
    msg = h[src] * norm[:, None]
    out = jax.ops.segment_sum(msg, dst, num_segments=num_nodes)
    return out + b


def setup_inputs(seed: int = 0) -> dict:
    key = jax.random.key(seed)
    ks = jax.random.split(key, 10)
    N, F_in, F_out, E = 10000, 128, 16, 320000
    H = 2 * F_out
    x = jax.random.normal(ks[0], (N, F_in), dtype=jnp.float32)
    edge_index = jax.random.randint(ks[1], (2, E), 0, N, dtype=jnp.int32)
    # GCNConv parameters (glorot-style init)
    W1 = jax.random.normal(ks[2], (F_in, H), dtype=jnp.float32) * jnp.sqrt(2.0 / (F_in + H))
    b1 = jnp.zeros((H,), dtype=jnp.float32)
    Wmu = jax.random.normal(ks[3], (H, F_out), dtype=jnp.float32) * jnp.sqrt(2.0 / (H + F_out))
    bmu = jnp.zeros((F_out,), dtype=jnp.float32)
    Wls = jax.random.normal(ks[4], (H, F_out), dtype=jnp.float32) * jnp.sqrt(2.0 / (H + F_out))
    bls = jnp.zeros((F_out,), dtype=jnp.float32)
    # reparametrization noise (randn_like in torch, materialized here for determinism)
    eps = jax.random.normal(ks[5], (N, F_out), dtype=jnp.float32)
    return {"x": x, "edge_index": edge_index, "W1": W1, "b1": b1, "Wmu": Wmu, "bmu": bmu, "Wls": Wls, "bls": bls, "eps": eps}


def reference(x, edge_index, W1, b1, Wmu, bmu, Wls, bls, eps):
    N = x.shape[0]
    src = edge_index[0]
    dst = edge_index[1]
    # GCN normalization with added self-loops: D^{-1/2} (A + I) D^{-1/2}
    loop = jnp.arange(N, dtype=src.dtype)
    src_a = jnp.concatenate([src, loop])
    dst_a = jnp.concatenate([dst, loop])
    deg = jax.ops.segment_sum(jnp.ones(src_a.shape[0], dtype=x.dtype), dst_a, num_segments=N)
    dinv = jax.lax.rsqrt(jnp.maximum(deg, 1.0))
    norm = dinv[src_a] * dinv[dst_a]
    h = jax.nn.relu(_gcn_layer(x, W1, b1, src_a, dst_a, norm, N))
    mu = _gcn_layer(h, Wmu, bmu, src_a, dst_a, norm, N)
    logstd = _gcn_layer(h, Wls, bls, src_a, dst_a, norm, N)
    # reparametrize (training mode): z = mu + eps * exp(logstd)
    z = mu + eps * jnp.exp(logstd)
    return z

if __name__ == "__main__":
    import jax
    _d = setup_inputs()
    print(jax.jit(kernel)(*tuple(_d.values())))

</pallas_src>

<mosaic_0001>
#map = affine_map<(d0, d1) -> (0)>
#map1 = affine_map<(d0, d1) -> (0, 0, 0)>
module attributes {stable_mosaic.version = 14 : i64} {
  func.func @_deg_kernel(%arg0: i32, %arg1: i32, %arg2: memref<320000xi32, #tpu.memory_space<hbm>>, %arg3: memref<2x10240x32xf32, #tpu.memory_space<hbm>>, %arg4: memref<10240xi32, #tpu.memory_space<vmem>>, %arg5: memref<128x32xf32, #tpu.memory_space<vmem>>, %arg6: memref<40x32xf32, #tpu.memory_space<vmem>>, %arg7: memref<10240x32xf32, #tpu.memory_space<vmem_shared>>, %arg8: memref<!tpu.dma_semaphore, #tpu.memory_space<semaphore_mem>>) attributes {dimension_semantics = [#tpu.dimension_semantics<core_parallel>, #tpu.dimension_semantics<subcore_parallel>], iteration_bounds = array<i64: 2, 16>, scalar_prefetch = 0 : i64, scratch_operands = 5 : i64, tpu.core_type = #tpu.core_type<sc_vector_subcore>, window_params = [{transform_indices = #map}, {transform_indices = #map1}]} {
    %mul3A = arith.constant 2 : i32
    %mul3A_0 = arith.muli %arg1, %mul3A : i32
    %add3A = arith.addi %mul3A_0, %arg0 : i32
    %mul3A_1 = arith.constant 80 : i32
    %mul3A_2 = arith.muli %mul3A_1, %add3A : i32
    %lt3A = arith.constant 31 : i32
    %lt3A_3 = arith.cmpi slt, %add3A, %lt3A : i32
    %jit3A = arith.constant 80 : i32
    %jit3A_4 = arith.constant 20 : i32
    %select_n3A = arith.select %lt3A_3, %jit3A, %jit3A_4 : i32
    %scan3A = arith.constant 0 : i32
    %scan3A_5 = arith.constant 0 : i32
    %scan3A_6 = arith.constant 256 : i32
    %scan3A_7 = arith.addi %scan3A_5, %scan3A_6 : i32
    %scan3A_8 = arith.constant 1 : i32
    %scan3A_9 = scf.for %scan3A_60 = %scan3A_5 to %scan3A_7 step %scan3A_8 iter_args(%scan3A_61 = %scan3A) -> (i32)  : i32 {
      %broadcast_in_dim3A = arith.constant 1.000000e+00 : f32
      %broadcast_in_dim3A_62 = vector.broadcast %broadcast_in_dim3A : f32 to vector<16xf32>
      %jit3A_63 = arith.constant 2 : i32
      %div3A = arith.divsi %scan3A_60, %jit3A_63 : i32
      %sign3A = arith.constant 0 : i32
      %sign3A_64 = arith.cmpi sgt, %scan3A_60, %sign3A : i32
      %sign3A_65 = arith.extui %sign3A_64 : i1 to i32
      %sign3A_66 = arith.constant 0 : i32
      %sign3A_67 = arith.cmpi slt, %scan3A_60, %sign3A_66 : i32
      %sign3A_68 = arith.extui %sign3A_67 : i1 to i32
      %sign3A_69 = arith.subi %sign3A_65, %sign3A_68 : i32
      %sign3A_70 = arith.constant 0 : i32
      %sign3A_71 = arith.cmpi sgt, %jit3A_63, %sign3A_70 : i32
      %sign3A_72 = arith.extui %sign3A_71 : i1 to i32
      %sign3A_73 = arith.constant 0 : i32
      %sign3A_74 = arith.cmpi slt, %jit3A_63, %sign3A_73 : i32
      %sign3A_75 = arith.extui %sign3A_74 : i1 to i32
      %sign3A_76 = arith.subi %sign3A_72, %sign3A_75 : i32
      %ne3A = arith.cmpi ne, %sign3A_69, %sign3A_76 : i32
      %rem3A = arith.remsi %scan3A_60, %jit3A_63 : i32
      %ne3A_77 = arith.constant 0 : i32
      %ne3A_78 = arith.cmpi ne, %rem3A, %ne3A_77 : i32
      %and3A = arith.andi %ne3A, %ne3A_78 : i1
      %sub3A_79 = arith.constant 1 : i32
      %sub3A_80 = arith.subi %div3A, %sub3A_79 : i32
      %select_n3A_81 = arith.select %and3A, %sub3A_80, %div3A : i32
      %jit3A_82 = arith.constant 2 : i32
      %eq3A_83 = arith.constant 0 : i32
      %eq3A_84 = arith.cmpi eq, %jit3A_82, %eq3A_83 : i32
      %jit3A_85 = arith.constant 1 : i32
      %select_n3A_86 = arith.select %eq3A_84, %jit3A_85, %jit3A_82 : i32
      %rem3A_87 = arith.remsi %scan3A_60, %select_n3A_86 : i32
      %ne3A_88 = arith.constant 0 : i32
      %ne3A_89 = arith.cmpi ne, %rem3A_87, %ne3A_88 : i32
      %lt3A_90 = arith.constant 0 : i32
      %lt3A_91 = arith.cmpi slt, %rem3A_87, %lt3A_90 : i32
      %lt3A_92 = arith.constant 0 : i32
      %lt3A_93 = arith.cmpi slt, %select_n3A_86, %lt3A_92 : i32
      %ne3A_94 = arith.xori %lt3A_91, %lt3A_93 : i1
      %and3A_95 = arith.andi %ne3A_94, %ne3A_89 : i1
      %add3A_96 = arith.addi %rem3A_87, %select_n3A_86 : i32
      %select_n3A_97 = arith.select %and3A_95, %add3A_96, %rem3A_87 : i32
      %mul3A_98 = arith.constant 16 : i32
      %mul3A_99 = arith.muli %select_n3A_97, %mul3A_98 : i32
      %swap3A = arith.index_cast %select_n3A_81 : i32 to index
      %swap3A_100 = arith.index_cast %mul3A_99 : i32 to index
      %swap3A_101 = tpu.vector_load %arg5[%swap3A, %swap3A_100] {strides = array<i32>} : memref<128x32xf32, #tpu.memory_space<vmem>>, vector<1x16xf32>,
      %swap3A_102 = vector.shape_cast %swap3A_101 : vector<1x16xf32> to vector<16xf32>
      %swap3A_103 = vector.shape_cast %broadcast_in_dim3A_62 : vector<16xf32> to vector<1x16xf32>
      tpu.vector_store %arg5[%swap3A, %swap3A_100], %swap3A_103 {strides = array<i32>} : memref<128x32xf32, #tpu.memory_space<vmem>>, vector<1x16xf32>,
      %scan3A_104 = arith.constant 0 : i32
      scf.yield %scan3A_104 : i32
    }
    %scan3A_10 = arith.constant 256 : i32
    %scan3A_11 = arith.constant 0 : i32
    %scan3A_12 = arith.constant 0 : i32
    %scan3A_13 = arith.constant 80 : i32
    %scan3A_14 = arith.addi %scan3A_12, %scan3A_13 : i32
    %scan3A_15 = arith.constant 1 : i32
    %scan3A_16 = scf.for %scan3A_60 = %scan3A_12 to %scan3A_14 step %scan3A_15 iter_args(%scan3A_61 = %scan3A_11) -> (i32)  : i32 {
      %broadcast_in_dim3A = arith.constant 0.000000e+00 : f32
      %broadcast_in_dim3A_62 = vector.broadcast %broadcast_in_dim3A : f32 to vector<16xf32>
      %jit3A_63 = arith.constant 2 : i32
      %div3A = arith.divsi %scan3A_60, %jit3A_63 : i32
      %sign3A = arith.constant 0 : i32
      %sign3A_64 = arith.cmpi sgt, %scan3A_60, %sign3A : i32
      %sign3A_65 = arith.extui %sign3A_64 : i1 to i32
      %sign3A_66 = arith.constant 0 : i32
      %sign3A_67 = arith.cmpi slt, %scan3A_60, %sign3A_66 : i32
      %sign3A_68 = arith.extui %sign3A_67 : i1 to i32
      %sign3A_69 = arith.subi %sign3A_65, %sign3A_68 : i32
      %sign3A_70 = arith.constant 0 : i32
      %sign3A_71 = arith.cmpi sgt, %jit3A_63, %sign3A_70 : i32
      %sign3A_72 = arith.extui %sign3A_71 : i1 to i32
      %sign3A_73 = arith.constant 0 : i32
      %sign3A_74 = arith.cmpi slt, %jit3A_63, %sign3A_73 : i32
      %sign3A_75 = arith.extui %sign3A_74 : i1 to i32
      %sign3A_76 = arith.subi %sign3A_72, %sign3A_75 : i32
      %ne3A = arith.cmpi ne, %sign3A_69, %sign3A_76 : i32
      %rem3A = arith.remsi %scan3A_60, %jit3A_63 : i32
      %ne3A_77 = arith.constant 0 : i32
      %ne3A_78 = arith.cmpi ne, %rem3A, %ne3A_77 : i32
      %and3A = arith.andi %ne3A, %ne3A_78 : i1
      %sub3A_79 = arith.constant 1 : i32
      %sub3A_80 = arith.subi %div3A, %sub3A_79 : i32
      %select_n3A_81 = arith.select %and3A, %sub3A_80, %div3A : i32
      %jit3A_82 = arith.constant 2 : i32
      %eq3A_83 = arith.constant 0 : i32
      %eq3A_84 = arith.cmpi eq, %jit3A_82, %eq3A_83 : i32
      %jit3A_85 = arith.constant 1 : i32
      %select_n3A_86 = arith.select %eq3A_84, %jit3A_85, %jit3A_82 : i32
      %rem3A_87 = arith.remsi %scan3A_60, %select_n3A_86 : i32
      %ne3A_88 = arith.constant 0 : i32
      %ne3A_89 = arith.cmpi ne, %rem3A_87, %ne3A_88 : i32
      %lt3A_90 = arith.constant 0 : i32
      %lt3A_91 = arith.cmpi slt, %rem3A_87, %lt3A_90 : i32
      %lt3A_92 = arith.constant 0 : i32
      %lt3A_93 = arith.cmpi slt, %select_n3A_86, %lt3A_92 : i32
      %ne3A_94 = arith.xori %lt3A_91, %lt3A_93 : i1
      %and3A_95 = arith.andi %ne3A_94, %ne3A_89 : i1
      %add3A_96 = arith.addi %rem3A_87, %select_n3A_86 : i32
      %select_n3A_97 = arith.select %and3A_95, %add3A_96, %rem3A_87 : i32
      %mul3A_98 = arith.constant 16 : i32
      %mul3A_99 = arith.muli %select_n3A_97, %mul3A_98 : i32
      %swap3A = arith.index_cast %select_n3A_81 : i32 to index
      %swap3A_100 = arith.index_cast %mul3A_99 : i32 to index
      %swap3A_101 = tpu.vector_load %arg6[%swap3A, %swap3A_100] {strides = array<i32>} : memref<40x32xf32, #tpu.memory_space<vmem>>, vector<1x16xf32>,
      %swap3A_102 = vector.shape_cast %swap3A_101 : vector<1x16xf32> to vector<16xf32>
      %swap3A_103 = vector.shape_cast %broadcast_in_dim3A_62 : vector<16xf32> to vector<1x16xf32>
      tpu.vector_store %arg6[%swap3A, %swap3A_100], %swap3A_103 {strides = array<i32>} : memref<40x32xf32, #tpu.memory_space<vmem>>, vector<1x16xf32>,
      %scan3A_104 = arith.constant 0 : i32
      scf.yield %scan3A_104 : i32
    }
    %scan3A_17 = arith.constant 80 : i32
    %scan3A_18 = arith.constant 0 : i32
    %scan3A_19 = arith.constant 0 : i32
    %scan3A_20 = arith.constant 16 : i32
    %scan3A_21 = arith.addi %scan3A_19, %scan3A_20 : i32
    %scan3A_22 = arith.constant 1 : i32
    %scan3A_23 = scf.for %scan3A_60 = %scan3A_19 to %scan3A_21 step %scan3A_22 iter_args(%scan3A_61 = %scan3A_18) -> (i32)  : i32 {
      %mul3A_62 = arith.constant 640 : i32
      %mul3A_63 = arith.muli %arg1, %mul3A_62 : i32
      %mul3A_64 = arith.constant 40 : i32
      %mul3A_65 = arith.muli %scan3A_60, %mul3A_64 : i32
      %add3A_66 = arith.addi %mul3A_63, %mul3A_65 : i32
      "tpu.region"() ({
        %run_scoped3A = tpu.sem_alloc : memref<!tpu.dma_semaphore, #tpu.memory_space<semaphore_mem>>
        %dma_start3A = arith.constant 0 : i32
        %dma_start3A_68 = tpu.memref_slice %arg7[%add3A_66, %dma_start3A] : memref<10240x32xf32, #tpu.memory_space<vmem_shared>> -> memref<40x32xf32, #tpu.memory_space<vmem_shared>>
        %dma_start3A_69 = arith.constant 0 : i32
        %dma_start3A_70 = tpu.memref_slice %arg7[%add3A_66, %dma_start3A_69] : memref<10240x32xf32, #tpu.memory_space<vmem_shared>> -> memref<40x32xf32, #tpu.memory_space<vmem_shared>>
        tpu.enqueue_dma source(%arg6 : memref<40x32xf32, #tpu.memory_space<vmem>>) target(%dma_start3A_70 : memref<40x32xf32, #tpu.memory_space<vmem_shared>>) target_semaphore(%run_scoped3A : memref<!tpu.dma_semaphore, #tpu.memory_space<semaphore_mem>>)
        %dma_wait3A = arith.constant 0 : i32
        %dma_wait3A_71 = tpu.memref_slice %arg7[%add3A_66, %dma_wait3A] : memref<10240x32xf32, #tpu.memory_space<vmem_shared>> -> memref<40x32xf32, #tpu.memory_space<vmem_shared>>
        %dma_wait3A_72 = arith.constant 0 : i32
        %dma_wait3A_73 = tpu.memref_slice %arg7[%add3A_66, %dma_wait3A_72] : memref<10240x32xf32, #tpu.memory_space<vmem_shared>> -> memref<40x32xf32, #tpu.memory_space<vmem_shared>>
        tpu.wait_dma2 semaphore(%run_scoped3A : memref<!tpu.dma_semaphore, #tpu.memory_space<semaphore_mem>>) src(%arg6 : memref<40x32xf32, #tpu.memory_space<vmem>>) dst(%dma_wait3A_73 : memref<40x32xf32, #tpu.memory_space<vmem_shared>>)
        tpu.yield
      }) : () -> ()
      %scan3A_67 = arith.constant 0 : i32
      scf.yield %scan3A_67 : i32
    }
    %scan3A_24 = arith.constant 16 : i32
    %lt3A_25 = arith.constant 31 : i32
    %lt3A_26 = arith.cmpi slt, %add3A, %lt3A_25 : i32
    %convert_element_type3A = arith.extui %lt3A_26 : i1 to i32
    %cond3A = arith.constant 0 : i32
    %cond3A_27 = arith.cmpi ne, %convert_element_type3A, %cond3A : i32
    scf.if %cond3A_27 {
      %mul3A_60 = arith.constant 128 : i32
      %mul3A_61 = arith.muli %mul3A_2, %mul3A_60 : i32
      "tpu.region"() ({
        %run_scoped3A = tpu.sem_alloc : memref<!tpu.dma_semaphore, #tpu.memory_space<semaphore_mem>>
        %dma_start3A = tpu.memref_slice %arg2[%mul3A_61] : memref<320000xi32, #tpu.memory_space<hbm>> -> memref<10240xi32, #tpu.memory_space<hbm>>
        %dma_start3A_62 = tpu.memref_slice %arg2[%mul3A_61] : memref<320000xi32, #tpu.memory_space<hbm>> -> memref<10240xi32, #tpu.memory_space<hbm>>
        tpu.enqueue_dma source(%dma_start3A_62 : memref<10240xi32, #tpu.memory_space<hbm>>) target(%arg4 : memref<10240xi32, #tpu.memory_space<vmem>>) target_semaphore(%run_scoped3A : memref<!tpu.dma_semaphore, #tpu.memory_space<semaphore_mem>>)
        %dma_wait3A = tpu.memref_slice %arg2[%mul3A_61] : memref<320000xi32, #tpu.memory_space<hbm>> -> memref<10240xi32, #tpu.memory_space<hbm>>
        %dma_wait3A_63 = tpu.memref_slice %arg2[%mul3A_61] : memref<320000xi32, #tpu.memory_space<hbm>> -> memref<10240xi32, #tpu.memory_space<hbm>>
        tpu.wait_dma2 semaphore(%run_scoped3A : memref<!tpu.dma_semaphore, #tpu.memory_space<semaphore_mem>>) src(%dma_wait3A_63 : memref<10240xi32, #tpu.memory_space<hbm>>) dst(%arg4 : memref<10240xi32, #tpu.memory_space<vmem>>)
        tpu.yield
      }) : () -> ()
    } else {
    }
    %eq3A = arith.constant 31 : i32
    %eq3A_28 = arith.cmpi eq, %add3A, %eq3A : i32
    %convert_element_type3A_29 = arith.extui %eq3A_28 : i1 to i32
    %cond3A_30 = arith.constant 0 : i32
    %cond3A_31 = arith.cmpi ne, %convert_element_type3A_29, %cond3A_30 : i32
    scf.if %cond3A_31 {
      %mul3A_60 = arith.constant 128 : i32
      %mul3A_61 = arith.muli %mul3A_2, %mul3A_60 : i32
      "tpu.region"() ({
        %run_scoped3A = tpu.sem_alloc : memref<!tpu.dma_semaphore, #tpu.memory_space<semaphore_mem>>
        %dma_start3A = arith.constant 0 : i32
        %dma_start3A_62 = tpu.memref_slice %arg4[%dma_start3A] : memref<10240xi32, #tpu.memory_space<vmem>> -> memref<3072xi32, #tpu.memory_space<vmem>>
        %dma_start3A_63 = tpu.memref_slice %arg2[%mul3A_61] : memref<320000xi32, #tpu.memory_space<hbm>> -> memref<3072xi32, #tpu.memory_space<hbm>>
        %dma_start3A_64 = arith.constant 0 : i32
        %dma_start3A_65 = tpu.memref_slice %arg4[%dma_start3A_64] : memref<10240xi32, #tpu.memory_space<vmem>> -> memref<3072xi32, #tpu.memory_space<vmem>>
        %dma_start3A_66 = tpu.memref_slice %arg2[%mul3A_61] : memref<320000xi32, #tpu.memory_space<hbm>> -> memref<3072xi32, #tpu.memory_space<hbm>>
        tpu.enqueue_dma source(%dma_start3A_66 : memref<3072xi32, #tpu.memory_space<hbm>>) target(%dma_start3A_65 : memref<3072xi32, #tpu.memory_space<vmem>>) target_semaphore(%run_scoped3A : memref<!tpu.dma_semaphore, #tpu.memory_space<semaphore_mem>>)
        %dma_wait3A = arith.constant 0 : i32
        %dma_wait3A_67 = tpu.memref_slice %arg4[%dma_wait3A] : memref<10240xi32, #tpu.memory_space<vmem>> -> memref<3072xi32, #tpu.memory_space<vmem>>
        %dma_wait3A_68 = tpu.memref_slice %arg2[%mul3A_61] : memref<320000xi32, #tpu.memory_space<hbm>> -> memref<3072xi32, #tpu.memory_space<hbm>>
        %dma_wait3A_69 = arith.constant 0 : i32
        %dma_wait3A_70 = tpu.memref_slice %arg4[%dma_wait3A_69] : memref<10240xi32, #tpu.memory_space<vmem>> -> memref<3072xi32, #tpu.memory_space<vmem>>
        %dma_wait3A_71 = tpu.memref_slice %arg2[%mul3A_61] : memref<320000xi32, #tpu.memory_space<hbm>> -> memref<3072xi32, #tpu.memory_space<hbm>>
        tpu.wait_dma2 semaphore(%run_scoped3A : memref<!tpu.dma_semaphore, #tpu.memory_space<semaphore_mem>>) src(%dma_wait3A_71 : memref<3072xi32, #tpu.memory_space<hbm>>) dst(%dma_wait3A_70 : memref<3072xi32, #tpu.memory_space<vmem>>)
        tpu.yield
      }) : () -> ()
    } else {
    }
    %barrier3A = arith.constant 0 : index
    tpu.barrier barrier_id(%barrier3A)
    %while3A = arith.constant 0 : i32
    %while3A_32 = arith.constant 0 : i32
    %while3A_33 = arith.subi %select_n3A, %while3A : i32
    %while3A_34 = arith.addi %while3A, %while3A_33 : i32
    %while3A_35 = arith.constant 1 : i32
    %while3A_36 = arith.divsi %while3A_33, %while3A_35 : i32
    %while3A_37 = arith.muli %while3A_36, %while3A_35 : i32
    %while3A_38 = arith.addi %while3A, %while3A_37 : i32
    %while3A_39 = arith.constant 1 : i32
    %while3A_40 = scf.for %while3A_60 = %while3A to %while3A_38 step %while3A_39 iter_args(%while3A_61 = %while3A_32) -> (i32)  : i32 {
      %ge3A = arith.constant 4 : i32
      %ge3A_62 = arith.cmpi sge, %while3A_60, %ge3A : i32
      %convert_element_type3A_63 = arith.extui %ge3A_62 : i1 to i32
      %cond3A_64 = arith.constant 0 : i32
      %cond3A_65 = arith.cmpi ne, %convert_element_type3A_63, %cond3A_64 : i32
      scf.if %cond3A_65 {
        %sub3A_72 = arith.constant 4 : i32
        %sub3A_73 = arith.subi %while3A_60, %sub3A_72 : i32
        %mul3A_74 = arith.constant 128 : i32
        %mul3A_75 = arith.muli %sub3A_73, %mul3A_74 : i32
        %dma_wait3A = tpu.memref_slice %arg4[%mul3A_75] : memref<10240xi32, #tpu.memory_space<vmem>> -> memref<128xi32, #tpu.memory_space<vmem>>
        %dma_wait3A_76 = arith.constant 0 : i32
        %dma_wait3A_77 = arith.constant 0 : i32
        %dma_wait3A_78 = tpu.memref_slice %arg7[%dma_wait3A_76, %dma_wait3A_77] : memref<10240x32xf32, #tpu.memory_space<vmem_shared>> -> memref<10240x32xf32, #tpu.memory_space<vmem_shared>>
        tpu.wait_indirect_dma semaphore(%arg8 : memref<!tpu.dma_semaphore, #tpu.memory_space<semaphore_mem>>) src(%arg5 : memref<128x32xf32, #tpu.memory_space<vmem>>) dst(%dma_wait3A_78 : memref<10240x32xf32, #tpu.memory_space<vmem_shared>>)
      } else {
      }
      %mul3A_66 = arith.constant 128 : i32
      %mul3A_67 = arith.muli %while3A_60, %mul3A_66 : i32
      %dma_start3A = tpu.memref_slice %arg4[%mul3A_67] : memref<10240xi32, #tpu.memory_space<vmem>> -> memref<128xi32, #tpu.memory_space<vmem>>
      %dma_start3A_68 = arith.constant 0 : i32
      %dma_start3A_69 = arith.constant 0 : i32
      %dma_start3A_70 = tpu.memref_slice %arg7[%dma_start3A_68, %dma_start3A_69] : memref<10240x32xf32, #tpu.memory_space<vmem_shared>> -> memref<10240x32xf32, #tpu.memory_space<vmem_shared>>
      tpu.enqueue_indirect_dma source(%arg5 : memref<128x32xf32, #tpu.memory_space<vmem>>) target(%dma_start3A_70 : memref<10240x32xf32, #tpu.memory_space<vmem_shared>>) offsets(%dma_start3A : memref<128xi32, #tpu.memory_space<vmem>>) semaphore(%arg8 : memref<!tpu.dma_semaphore, #tpu.memory_space<semaphore_mem>>) {add = true}
      %while3A_71 = arith.constant 0 : i32
      scf.yield %while3A_71 : i32
    }
    %while3A_41 = arith.constant 1 : i32
    %while3A_42 = scf.for %while3A_60 = %while3A_38 to %while3A_34 step %while3A_41 iter_args(%while3A_61 = %while3A_40) -> (i32)  : i32 {
      %ge3A = arith.constant 4 : i32
      %ge3A_62 = arith.cmpi sge, %while3A_60, %ge3A : i32
      %convert_element_type3A_63 = arith.extui %ge3A_62 : i1 to i32
      %cond3A_64 = arith.constant 0 : i32
      %cond3A_65 = arith.cmpi ne, %convert_element_type3A_63, %cond3A_64 : i32
      scf.if %cond3A_65 {
        %sub3A_72 = arith.constant 4 : i32
        %sub3A_73 = arith.subi %while3A_60, %sub3A_72 : i32
        %mul3A_74 = arith.constant 128 : i32
        %mul3A_75 = arith.muli %sub3A_73, %mul3A_74 : i32
        %dma_wait3A = tpu.memref_slice %arg4[%mul3A_75] : memref<10240xi32, #tpu.memory_space<vmem>> -> memref<128xi32, #tpu.memory_space<vmem>>
        %dma_wait3A_76 = arith.constant 0 : i32
        %dma_wait3A_77 = arith.constant 0 : i32
        %dma_wait3A_78 = tpu.memref_slice %arg7[%dma_wait3A_76, %dma_wait3A_77] : memref<10240x32xf32, #tpu.memory_space<vmem_shared>> -> memref<10240x32xf32, #tpu.memory_space<vmem_shared>>
        tpu.wait_indirect_dma semaphore(%arg8 : memref<!tpu.dma_semaphore, #tpu.memory_space<semaphore_mem>>) src(%arg5 : memref<128x32xf32, #tpu.memory_space<vmem>>) dst(%dma_wait3A_78 : memref<10240x32xf32, #tpu.memory_space<vmem_shared>>)
      } else {
      }
      %mul3A_66 = arith.constant 128 : i32
      %mul3A_67 = arith.muli %while3A_60, %mul3A_66 : i32
      %dma_start3A = tpu.memref_slice %arg4[%mul3A_67] : memref<10240xi32, #tpu.memory_space<vmem>> -> memref<128xi32, #tpu.memory_space<vmem>>
      %dma_start3A_68 = arith.constant 0 : i32
      %dma_start3A_69 = arith.constant 0 : i32
      %dma_start3A_70 = tpu.memref_slice %arg7[%dma_start3A_68, %dma_start3A_69] : memref<10240x32xf32, #tpu.memory_space<vmem_shared>> -> memref<10240x32xf32, #tpu.memory_space<vmem_shared>>
      tpu.enqueue_indirect_dma source(%arg5 : memref<128x32xf32, #tpu.memory_space<vmem>>) target(%dma_start3A_70 : memref<10240x32xf32, #tpu.memory_space<vmem_shared>>) offsets(%dma_start3A : memref<128xi32, #tpu.memory_space<vmem>>) semaphore(%arg8 : memref<!tpu.dma_semaphore, #tpu.memory_space<semaphore_mem>>) {add = true}
      %while3A_71 = arith.constant 0 : i32
      scf.yield %while3A_71 : i32
    }
    %sub3A = arith.constant 4 : i32
    %sub3A_43 = arith.subi %select_n3A, %sub3A : i32
    %while3A_44 = arith.constant 0 : i32
    %while3A_45 = arith.subi %select_n3A, %sub3A_43 : i32
    %while3A_46 = arith.addi %sub3A_43, %while3A_45 : i32
    %while3A_47 = arith.constant 1 : i32
    %while3A_48 = arith.divsi %while3A_45, %while3A_47 : i32
    %while3A_49 = arith.muli %while3A_48, %while3A_47 : i32
    %while3A_50 = arith.addi %sub3A_43, %while3A_49 : i32
    %while3A_51 = arith.constant 1 : i32
    %while3A_52 = scf.for %while3A_60 = %sub3A_43 to %while3A_50 step %while3A_51 iter_args(%while3A_61 = %while3A_44) -> (i32)  : i32 {
      %mul3A_62 = arith.constant 128 : i32
      %mul3A_63 = arith.muli %while3A_60, %mul3A_62 : i32
      %dma_wait3A = tpu.memref_slice %arg4[%mul3A_63] : memref<10240xi32, #tpu.memory_space<vmem>> -> memref<128xi32, #tpu.memory_space<vmem>>
      %dma_wait3A_64 = arith.constant 0 : i32
      %dma_wait3A_65 = arith.constant 0 : i32
      %dma_wait3A_66 = tpu.memref_slice %arg7[%dma_wait3A_64, %dma_wait3A_65] : memref<10240x32xf32, #tpu.memory_space<vmem_shared>> -> memref<10240x32xf32, #tpu.memory_space<vmem_shared>>
      tpu.wait_indirect_dma semaphore(%arg8 : memref<!tpu.dma_semaphore, #tpu.memory_space<semaphore_mem>>) src(%arg5 : memref<128x32xf32, #tpu.memory_space<vmem>>) dst(%dma_wait3A_66 : memref<10240x32xf32, #tpu.memory_space<vmem_shared>>)
      %while3A_67 = arith.constant 0 : i32
      scf.yield %while3A_67 : i32
    }
    %while3A_53 = arith.constant 1 : i32
    %while3A_54 = scf.for %while3A_60 = %while3A_50 to %while3A_46 step %while3A_53 iter_args(%while3A_61 = %while3A_52) -> (i32)  : i32 {
      %mul3A_62 = arith.constant 128 : i32
      %mul3A_63 = arith.muli %while3A_60, %mul3A_62 : i32
      %dma_wait3A = tpu.memref_slice %arg4[%mul3A_63] : memref<10240xi32, #tpu.memory_space<vmem>> -> memref<128xi32, #tpu.memory_space<vmem>>
      %dma_wait3A_64 = arith.constant 0 : i32
      %dma_wait3A_65 = arith.constant 0 : i32
      %dma_wait3A_66 = tpu.memref_slice %arg7[%dma_wait3A_64, %dma_wait3A_65] : memref<10240x32xf32, #tpu.memory_space<vmem_shared>> -> memref<10240x32xf32, #tpu.memory_space<vmem_shared>>
      tpu.wait_indirect_dma semaphore(%arg8 : memref<!tpu.dma_semaphore, #tpu.memory_space<semaphore_mem>>) src(%arg5 : memref<128x32xf32, #tpu.memory_space<vmem>>) dst(%dma_wait3A_66 : memref<10240x32xf32, #tpu.memory_space<vmem_shared>>)
      %while3A_67 = arith.constant 0 : i32
      scf.yield %while3A_67 : i32
    }
    %barrier3A_55 = arith.constant 0 : index
    tpu.barrier barrier_id(%barrier3A_55)
    %mul3A_56 = arith.constant 640 : i32
    %mul3A_57 = arith.muli %arg1, %mul3A_56 : i32
    %mul3A_58 = arith.constant 640 : i32
    %mul3A_59 = arith.muli %arg1, %mul3A_58 : i32
    "tpu.region"() ({
      %run_scoped3A = tpu.sem_alloc : memref<!tpu.dma_semaphore, #tpu.memory_space<semaphore_mem>>
      %dma_start3A = arith.constant 0 : i32
      %dma_start3A_60 = tpu.memref_slice %arg3[%arg0, %mul3A_59, %dma_start3A] : memref<2x10240x32xf32, #tpu.memory_space<hbm>> -> memref<1x640x32xf32, #tpu.memory_space<hbm>>
      %dma_start3A_61 = tpu.memref_squeeze %dma_start3A_60 : memref<1x640x32xf32, #tpu.memory_space<hbm>> -> memref<640x32xf32, #tpu.memory_space<hbm>>
      %dma_start3A_62 = arith.constant 0 : i32
      %dma_start3A_63 = tpu.memref_slice %arg7[%mul3A_57, %dma_start3A_62] : memref<10240x32xf32, #tpu.memory_space<vmem_shared>> -> memref<640x32xf32, #tpu.memory_space<vmem_shared>>
      tpu.enqueue_dma source(%dma_start3A_63 : memref<640x32xf32, #tpu.memory_space<vmem_shared>>) target(%dma_start3A_61 : memref<640x32xf32, #tpu.memory_space<hbm>>) target_semaphore(%run_scoped3A : memref<!tpu.dma_semaphore, #tpu.memory_space<semaphore_mem>>)
      %dma_wait3A = arith.constant 0 : i32
      %dma_wait3A_64 = tpu.memref_slice %arg3[%arg0, %mul3A_59, %dma_wait3A] : memref<2x10240x32xf32, #tpu.memory_space<hbm>> -> memref<1x640x32xf32, #tpu.memory_space<hbm>>
      %dma_wait3A_65 = tpu.memref_squeeze %dma_wait3A_64 : memref<1x640x32xf32, #tpu.memory_space<hbm>> -> memref<640x32xf32, #tpu.memory_space<hbm>>
      %dma_wait3A_66 = arith.constant 0 : i32
      %dma_wait3A_67 = tpu.memref_slice %arg7[%mul3A_57, %dma_wait3A_66] : memref<10240x32xf32, #tpu.memory_space<vmem_shared>> -> memref<640x32xf32, #tpu.memory_space<vmem_shared>>
      tpu.wait_dma2 semaphore(%run_scoped3A : memref<!tpu.dma_semaphore, #tpu.memory_space<semaphore_mem>>) src(%dma_wait3A_67 : memref<640x32xf32, #tpu.memory_space<vmem_shared>>) dst(%dma_wait3A_65 : memref<640x32xf32, #tpu.memory_space<hbm>>)
      tpu.yield
    }) : () -> ()
    return
  }
}

#map = affine_map<(d0, d1) -> (0, 0)>
#map1 = affine_map<(d0, d1) -> (0)>
#map2 = affine_map<(d0, d1) -> (0, 0, 0)>
module attributes {stable_mosaic.version = 14 : i64} {
  func.func @_spmm_kernel(%arg0: i32, %arg1: i32, %arg2: memref<10240x32xf32, #tpu.memory_space<hbm>>, %arg3: memref<320000xi32, #tpu.memory_space<hbm>>, %arg4: memref<320000xi32, #tpu.memory_space<hbm>>, %arg5: memref<2x10240x32xf32, #tpu.memory_space<hbm>>, %arg6: memref<10240xi32, #tpu.memory_space<vmem>>, %arg7: memref<10240xi32, #tpu.memory_space<vmem>>, %arg8: memref<6x128x32xf32, #tpu.memory_space<vmem>>, %arg9: memref<40x32xf32, #tpu.memory_space<vmem>>, %arg10: memref<10240x32xf32, #tpu.memory_space<vmem_shared>>, %arg11: memref<!tpu.dma_semaphore, #tpu.memory_space<semaphore_mem>>, %arg12: memref<!tpu.dma_semaphore, #tpu.memory_space<semaphore_mem>>) attributes {dimension_semantics = [#tpu.dimension_semantics<core_parallel>, #tpu.dimension_semantics<subcore_parallel>], iteration_bounds = array<i64: 2, 16>, scalar_prefetch = 0 : i64, scratch_operands = 7 : i64, tpu.core_type = #tpu.core_type<sc_vector_subcore>, window_params = [{transform_indices = #map}, {transform_indices = #map1}, {transform_indices = #map1}, {transform_indices = #map2}]} {
    %mul3A = arith.constant 2 : i32
    %mul3A_0 = arith.muli %arg1, %mul3A : i32
    %add3A = arith.addi %mul3A_0, %arg0 : i32
    %mul3A_1 = arith.constant 80 : i32
    %mul3A_2 = arith.muli %mul3A_1, %add3A : i32
    %lt3A = arith.constant 31 : i32
    %lt3A_3 = arith.cmpi slt, %add3A, %lt3A : i32
    %jit3A = arith.constant 80 : i32
    %jit3A_4 = arith.constant 20 : i32
    %select_n3A = arith.select %lt3A_3, %jit3A, %jit3A_4 : i32
    %scan3A = arith.constant 0 : i32
    %scan3A_5 = arith.constant 0 : i32
    %scan3A_6 = arith.constant 80 : i32
    %scan3A_7 = arith.addi %scan3A_5, %scan3A_6 : i32
    %scan3A_8 = arith.constant 1 : i32
    %scan3A_9 = scf.for %scan3A_109 = %scan3A_5 to %scan3A_7 step %scan3A_8 iter_args(%scan3A_110 = %scan3A) -> (i32)  : i32 {
      %broadcast_in_dim3A = arith.constant 0.000000e+00 : f32
      %broadcast_in_dim3A_111 = vector.broadcast %broadcast_in_dim3A : f32 to vector<16xf32>
      %jit3A_112 = arith.constant 2 : i32
      %div3A = arith.divsi %scan3A_109, %jit3A_112 : i32
      %sign3A = arith.constant 0 : i32
      %sign3A_113 = arith.cmpi sgt, %scan3A_109, %sign3A : i32
      %sign3A_114 = arith.extui %sign3A_113 : i1 to i32
      %sign3A_115 = arith.constant 0 : i32
      %sign3A_116 = arith.cmpi slt, %scan3A_109, %sign3A_115 : i32
      %sign3A_117 = arith.extui %sign3A_116 : i1 to i32
      %sign3A_118 = arith.subi %sign3A_114, %sign3A_117 : i32
      %sign3A_119 = arith.constant 0 : i32
      %sign3A_120 = arith.cmpi sgt, %jit3A_112, %sign3A_119 : i32
      %sign3A_121 = arith.extui %sign3A_120 : i1 to i32
      %sign3A_122 = arith.constant 0 : i32
      %sign3A_123 = arith.cmpi slt, %jit3A_112, %sign3A_122 : i32
      %sign3A_124 = arith.extui %sign3A_123 : i1 to i32
      %sign3A_125 = arith.subi %sign3A_121, %sign3A_124 : i32
      %ne3A = arith.cmpi ne, %sign3A_118, %sign3A_125 : i32
      %rem3A_126 = arith.remsi %scan3A_109, %jit3A_112 : i32
      %ne3A_127 = arith.constant 0 : i32
      %ne3A_128 = arith.cmpi ne, %rem3A_126, %ne3A_127 : i32
      %and3A = arith.andi %ne3A, %ne3A_128 : i1
      %sub3A_129 = arith.constant 1 : i32
      %sub3A_130 = arith.subi %div3A, %sub3A_129 : i32
      %select_n3A_131 = arith.select %and3A, %sub3A_130, %div3A : i32
      %jit3A_132 = arith.constant 2 : i32
      %eq3A_133 = arith.constant 0 : i32
      %eq3A_134 = arith.cmpi eq, %jit3A_132, %eq3A_133 : i32
      %jit3A_135 = arith.constant 1 : i32
      %select_n3A_136 = arith.select %eq3A_134, %jit3A_135, %jit3A_132 : i32
      %rem3A_137 = arith.remsi %scan3A_109, %select_n3A_136 : i32
      %ne3A_138 = arith.constant 0 : i32
      %ne3A_139 = arith.cmpi ne, %rem3A_137, %ne3A_138 : i32
      %lt3A_140 = arith.constant 0 : i32
      %lt3A_141 = arith.cmpi slt, %rem3A_137, %lt3A_140 : i32
      %lt3A_142 = arith.constant 0 : i32
      %lt3A_143 = arith.cmpi slt, %select_n3A_136, %lt3A_142 : i32
      %ne3A_144 = arith.xori %lt3A_141, %lt3A_143 : i1
      %and3A_145 = arith.andi %ne3A_144, %ne3A_139 : i1
      %add3A_146 = arith.addi %rem3A_137, %select_n3A_136 : i32
      %select_n3A_147 = arith.select %and3A_145, %add3A_146, %rem3A_137 : i32
      %mul3A_148 = arith.constant 16 : i32
      %mul3A_149 = arith.muli %select_n3A_147, %mul3A_148 : i32
      %swap3A = arith.index_cast %select_n3A_131 : i32 to index
      %swap3A_150 = arith.index_cast %mul3A_149 : i32 to index
      %swap3A_151 = tpu.vector_load %arg9[%swap3A, %swap3A_150] {strides = array<i32>} : memref<40x32xf32, #tpu.memory_space<vmem>>, vector<1x16xf32>,
      %swap3A_152 = vector.shape_cast %swap3A_151 : vector<1x16xf32> to vector<16xf32>
      %swap3A_153 = vector.shape_cast %broadcast_in_dim3A_111 : vector<16xf32> to vector<1x16xf32>
      tpu.vector_store %arg9[%swap3A, %swap3A_150], %swap3A_153 {strides = array<i32>} : memref<40x32xf32, #tpu.memory_space<vmem>>, vector<1x16xf32>,
      %scan3A_154 = arith.constant 0 : i32
      scf.yield %scan3A_154 : i32
    }
    %scan3A_10 = arith.constant 80 : i32
    %scan3A_11 = arith.constant 0 : i32
    %scan3A_12 = arith.constant 0 : i32
    %scan3A_13 = arith.constant 16 : i32
    %scan3A_14 = arith.addi %scan3A_12, %scan3A_13 : i32
    %scan3A_15 = arith.constant 1 : i32
    %scan3A_16 = scf.for %scan3A_109 = %scan3A_12 to %scan3A_14 step %scan3A_15 iter_args(%scan3A_110 = %scan3A_11) -> (i32)  : i32 {
      %mul3A_111 = arith.constant 640 : i32
      %mul3A_112 = arith.muli %arg1, %mul3A_111 : i32
      %mul3A_113 = arith.constant 40 : i32
      %mul3A_114 = arith.muli %scan3A_109, %mul3A_113 : i32
      %add3A_115 = arith.addi %mul3A_112, %mul3A_114 : i32
      "tpu.region"() ({
        %run_scoped3A = tpu.sem_alloc : memref<!tpu.dma_semaphore, #tpu.memory_space<semaphore_mem>>
        %dma_start3A_117 = arith.constant 0 : i32
        %dma_start3A_118 = tpu.memref_slice %arg10[%add3A_115, %dma_start3A_117] : memref<10240x32xf32, #tpu.memory_space<vmem_shared>> -> memref<40x32xf32, #tpu.memory_space<vmem_shared>>
        %dma_start3A_119 = arith.constant 0 : i32
        %dma_start3A_120 = tpu.memref_slice %arg10[%add3A_115, %dma_start3A_119] : memref<10240x32xf32, #tpu.memory_space<vmem_shared>> -> memref<40x32xf32, #tpu.memory_space<vmem_shared>>
        tpu.enqueue_dma source(%arg9 : memref<40x32xf32, #tpu.memory_space<vmem>>) target(%dma_start3A_120 : memref<40x32xf32, #tpu.memory_space<vmem_shared>>) target_semaphore(%run_scoped3A : memref<!tpu.dma_semaphore, #tpu.memory_space<semaphore_mem>>)
        %dma_wait3A_121 = arith.constant 0 : i32
        %dma_wait3A_122 = tpu.memref_slice %arg10[%add3A_115, %dma_wait3A_121] : memref<10240x32xf32, #tpu.memory_space<vmem_shared>> -> memref<40x32xf32, #tpu.memory_space<vmem_shared>>
        %dma_wait3A_123 = arith.constant 0 : i32
        %dma_wait3A_124 = tpu.memref_slice %arg10[%add3A_115, %dma_wait3A_123] : memref<10240x32xf32, #tpu.memory_space<vmem_shared>> -> memref<40x32xf32, #tpu.memory_space<vmem_shared>>
        tpu.wait_dma2 semaphore(%run_scoped3A : memref<!tpu.dma_semaphore, #tpu.memory_space<semaphore_mem>>) src(%arg9 : memref<40x32xf32, #tpu.memory_space<vmem>>) dst(%dma_wait3A_124 : memref<40x32xf32, #tpu.memory_space<vmem_shared>>)
        tpu.yield
      }) : () -> ()
      %scan3A_116 = arith.constant 0 : i32
      scf.yield %scan3A_116 : i32
    }
    %scan3A_17 = arith.constant 16 : i32
    %lt3A_18 = arith.constant 31 : i32
    %lt3A_19 = arith.cmpi slt, %add3A, %lt3A_18 : i32
    %convert_element_type3A = arith.extui %lt3A_19 : i1 to i32
    %cond3A = arith.constant 0 : i32
    %cond3A_20 = arith.cmpi ne, %convert_element_type3A, %cond3A : i32
    scf.if %cond3A_20 {
      %mul3A_109 = arith.constant 128 : i32
      %mul3A_110 = arith.muli %mul3A_2, %mul3A_109 : i32
      "tpu.region"() ({
        %run_scoped3A = tpu.sem_alloc : memref<!tpu.dma_semaphore, #tpu.memory_space<semaphore_mem>>
        %dma_start3A_113 = tpu.memref_slice %arg3[%mul3A_110] : memref<320000xi32, #tpu.memory_space<hbm>> -> memref<10240xi32, #tpu.memory_space<hbm>>
        %dma_start3A_114 = tpu.memref_slice %arg3[%mul3A_110] : memref<320000xi32, #tpu.memory_space<hbm>> -> memref<10240xi32, #tpu.memory_space<hbm>>
        tpu.enqueue_dma source(%dma_start3A_114 : memref<10240xi32, #tpu.memory_space<hbm>>) target(%arg6 : memref<10240xi32, #tpu.memory_space<vmem>>) target_semaphore(%run_scoped3A : memref<!tpu.dma_semaphore, #tpu.memory_space<semaphore_mem>>)
        %dma_wait3A_115 = tpu.memref_slice %arg3[%mul3A_110] : memref<320000xi32, #tpu.memory_space<hbm>> -> memref<10240xi32, #tpu.memory_space<hbm>>
        %dma_wait3A_116 = tpu.memref_slice %arg3[%mul3A_110] : memref<320000xi32, #tpu.memory_space<hbm>> -> memref<10240xi32, #tpu.memory_space<hbm>>
        tpu.wait_dma2 semaphore(%run_scoped3A : memref<!tpu.dma_semaphore, #tpu.memory_space<semaphore_mem>>) src(%dma_wait3A_116 : memref<10240xi32, #tpu.memory_space<hbm>>) dst(%arg6 : memref<10240xi32, #tpu.memory_space<vmem>>)
        tpu.yield
      }) : () -> ()
      %mul3A_111 = arith.constant 128 : i32
      %mul3A_112 = arith.muli %mul3A_2, %mul3A_111 : i32
      "tpu.region"() ({
        %run_scoped3A = tpu.sem_alloc : memref<!tpu.dma_semaphore, #tpu.memory_space<semaphore_mem>>
        %dma_start3A_113 = tpu.memref_slice %arg4[%mul3A_112] : memref<320000xi32, #tpu.memory_space<hbm>> -> memref<10240xi32, #tpu.memory_space<hbm>>
        %dma_start3A_114 = tpu.memref_slice %arg4[%mul3A_112] : memref<320000xi32, #tpu.memory_space<hbm>> -> memref<10240xi32, #tpu.memory_space<hbm>>
        tpu.enqueue_dma source(%dma_start3A_114 : memref<10240xi32, #tpu.memory_space<hbm>>) target(%arg7 : memref<10240xi32, #tpu.memory_space<vmem>>) target_semaphore(%run_scoped3A : memref<!tpu.dma_semaphore, #tpu.memory_space<semaphore_mem>>)
        %dma_wait3A_115 = tpu.memref_slice %arg4[%mul3A_112] : memref<320000xi32, #tpu.memory_space<hbm>> -> memref<10240xi32, #tpu.memory_space<hbm>>
        %dma_wait3A_116 = tpu.memref_slice %arg4[%mul3A_112] : memref<320000xi32, #tpu.memory_space<hbm>> -> memref<10240xi32, #tpu.memory_space<hbm>>
        tpu.wait_dma2 semaphore(%run_scoped3A : memref<!tpu.dma_semaphore, #tpu.memory_space<semaphore_mem>>) src(%dma_wait3A_116 : memref<10240xi32, #tpu.memory_space<hbm>>) dst(%arg7 : memref<10240xi32, #tpu.memory_space<vmem>>)
        tpu.yield
      }) : () -> ()
    } else {
    }
    %eq3A = arith.constant 31 : i32
    %eq3A_21 = arith.cmpi eq, %add3A, %eq3A : i32
    %convert_element_type3A_22 = arith.extui %eq3A_21 : i1 to i32
    %cond3A_23 = arith.constant 0 : i32
    %cond3A_24 = arith.cmpi ne, %convert_element_type3A_22, %cond3A_23 : i32
    scf.if %cond3A_24 {
      %mul3A_109 = arith.constant 128 : i32
      %mul3A_110 = arith.muli %mul3A_2, %mul3A_109 : i32
      "tpu.region"() ({
        %run_scoped3A = tpu.sem_alloc : memref<!tpu.dma_semaphore, #tpu.memory_space<semaphore_mem>>
        %dma_start3A_113 = arith.constant 0 : i32
        %dma_start3A_114 = tpu.memref_slice %arg6[%dma_start3A_113] : memref<10240xi32, #tpu.memory_space<vmem>> -> memref<3072xi32, #tpu.memory_space<vmem>>
        %dma_start3A_115 = tpu.memref_slice %arg3[%mul3A_110] : memref<320000xi32, #tpu.memory_space<hbm>> -> memref<3072xi32, #tpu.memory_space<hbm>>
        %dma_start3A_116 = arith.constant 0 : i32
        %dma_start3A_117 = tpu.memref_slice %arg6[%dma_start3A_116] : memref<10240xi32, #tpu.memory_space<vmem>> -> memref<3072xi32, #tpu.memory_space<vmem>>
        %dma_start3A_118 = tpu.memref_slice %arg3[%mul3A_110] : memref<320000xi32, #tpu.memory_space<hbm>> -> memref<3072xi32, #tpu.memory_space<hbm>>
        tpu.enqueue_dma source(%dma_start3A_118 : memref<3072xi32, #tpu.memory_space<hbm>>) target(%dma_start3A_117 : memref<3072xi32, #tpu.memory_space<vmem>>) target_semaphore(%run_scoped3A : memref<!tpu.dma_semaphore, #tpu.memory_space<semaphore_mem>>)
        %dma_wait3A_119 = arith.constant 0 : i32
        %dma_wait3A_120 = tpu.memref_slice %arg6[%dma_wait3A_119] : memref<10240xi32, #tpu.memory_space<vmem>> -> memref<3072xi32, #tpu.memory_space<vmem>>
        %dma_wait3A_121 = tpu.memref_slice %arg3[%mul3A_110] : memref<320000xi32, #tpu.memory_space<hbm>> -> memref<3072xi32, #tpu.memory_space<hbm>>
        %dma_wait3A_122 = arith.constant 0 : i32
        %dma_wait3A_123 = tpu.memref_slice %arg6[%dma_wait3A_122] : memref<10240xi32, #tpu.memory_space<vmem>> -> memref<3072xi32, #tpu.memory_space<vmem>>
        %dma_wait3A_124 = tpu.memref_slice %arg3[%mul3A_110] : memref<320000xi32, #tpu.memory_space<hbm>> -> memref<3072xi32, #tpu.memory_space<hbm>>
        tpu.wait_dma2 semaphore(%run_scoped3A : memref<!tpu.dma_semaphore, #tpu.memory_space<semaphore_mem>>) src(%dma_wait3A_124 : memref<3072xi32, #tpu.memory_space<hbm>>) dst(%dma_wait3A_123 : memref<3072xi32, #tpu.memory_space<vmem>>)
        tpu.yield
      }) : () -> ()
      %mul3A_111 = arith.constant 128 : i32
      %mul3A_112 = arith.muli %mul3A_2, %mul3A_111 : i32
      "tpu.region"() ({
        %run_scoped3A = tpu.sem_alloc : memref<!tpu.dma_semaphore, #tpu.memory_space<semaphore_mem>>
        %dma_start3A_113 = arith.constant 0 : i32
        %dma_start3A_114 = tpu.memref_slice %arg7[%dma_start3A_113] : memref<10240xi32, #tpu.memory_space<vmem>> -> memref<3072xi32, #tpu.memory_space<vmem>>
        %dma_start3A_115 = tpu.memref_slice %arg4[%mul3A_112] : memref<320000xi32, #tpu.memory_space<hbm>> -> memref<3072xi32, #tpu.memory_space<hbm>>
        %dma_start3A_116 = arith.constant 0 : i32
        %dma_start3A_117 = tpu.memref_slice %arg7[%dma_start3A_116] : memref<10240xi32, #tpu.memory_space<vmem>> -> memref<3072xi32, #tpu.memory_space<vmem>>
        %dma_start3A_118 = tpu.memref_slice %arg4[%mul3A_112] : memref<320000xi32, #tpu.memory_space<hbm>> -> memref<3072xi32, #tpu.memory_space<hbm>>
        tpu.enqueue_dma source(%dma_start3A_118 : memref<3072xi32, #tpu.memory_space<hbm>>) target(%dma_start3A_117 : memref<3072xi32, #tpu.memory_space<vmem>>) target_semaphore(%run_scoped3A : memref<!tpu.dma_semaphore, #tpu.memory_space<semaphore_mem>>)
        %dma_wait3A_119 = arith.constant 0 : i32
        %dma_wait3A_120 = tpu.memref_slice %arg7[%dma_wait3A_119] : memref<10240xi32, #tpu.memory_space<vmem>> -> memref<3072xi32, #tpu.memory_space<vmem>>
        %dma_wait3A_121 = tpu.memref_slice %arg4[%mul3A_112] : memref<320000xi32, #tpu.memory_space<hbm>> -> memref<3072xi32, #tpu.memory_space<hbm>>
        %dma_wait3A_122 = arith.constant 0 : i32
        %dma_wait3A_123 = tpu.memref_slice %arg7[%dma_wait3A_122] : memref<10240xi32, #tpu.memory_space<vmem>> -> memref<3072xi32, #tpu.memory_space<vmem>>
        %dma_wait3A_124 = tpu.memref_slice %arg4[%mul3A_112] : memref<320000xi32, #tpu.memory_space<hbm>> -> memref<3072xi32, #tpu.memory_space<hbm>>
        tpu.wait_dma2 semaphore(%run_scoped3A : memref<!tpu.dma_semaphore, #tpu.memory_space<semaphore_mem>>) src(%dma_wait3A_124 : memref<3072xi32, #tpu.memory_space<hbm>>) dst(%dma_wait3A_123 : memref<3072xi32, #tpu.memory_space<vmem>>)
        tpu.yield
      }) : () -> ()
    } else {
    }
    %barrier3A = arith.constant 0 : index
    tpu.barrier barrier_id(%barrier3A)
    %dma_start3A = arith.constant 0 : i32
    %dma_start3A_25 = arith.constant 0 : i32
    %dma_start3A_26 = arith.constant 0 : i32
    %dma_start3A_27 = tpu.memref_slice %arg8[%dma_start3A, %dma_start3A_25, %dma_start3A_26] : memref<6x128x32xf32, #tpu.memory_space<vmem>> -> memref<1x128x32xf32, #tpu.memory_space<vmem>>
    %dma_start3A_28 = tpu.memref_squeeze %dma_start3A_27 : memref<1x128x32xf32, #tpu.memory_space<vmem>> -> memref<128x32xf32, #tpu.memory_space<vmem>>
    %dma_start3A_29 = arith.constant 0 : i32
    %dma_start3A_30 = tpu.memref_slice %arg6[%dma_start3A_29] : memref<10240xi32, #tpu.memory_space<vmem>> -> memref<128xi32, #tpu.memory_space<vmem>>
    %dma_start3A_31 = arith.constant 0 : i32
    %dma_start3A_32 = arith.constant 0 : i32
    %dma_start3A_33 = tpu.memref_slice %arg2[%dma_start3A_31, %dma_start3A_32] : memref<10240x32xf32, #tpu.memory_space<hbm>> -> memref<10240x32xf32, #tpu.memory_space<hbm>>
    tpu.enqueue_indirect_dma source(%dma_start3A_33 : memref<10240x32xf32, #tpu.memory_space<hbm>>) target(%dma_start3A_28 : memref<128x32xf32, #tpu.memory_space<vmem>>) offsets(%dma_start3A_30 : memref<128xi32, #tpu.memory_space<vmem>>) semaphore(%arg11 : memref<!tpu.dma_semaphore, #tpu.memory_space<semaphore_mem>>)
    %dma_start3A_34 = arith.constant 1 : i32
    %dma_start3A_35 = arith.constant 0 : i32
    %dma_start3A_36 = arith.constant 0 : i32
    %dma_start3A_37 = tpu.memref_slice %arg8[%dma_start3A_34, %dma_start3A_35, %dma_start3A_36] : memref<6x128x32xf32, #tpu.memory_space<vmem>> -> memref<1x128x32xf32, #tpu.memory_space<vmem>>
    %dma_start3A_38 = tpu.memref_squeeze %dma_start3A_37 : memref<1x128x32xf32, #tpu.memory_space<vmem>> -> memref<128x32xf32, #tpu.memory_space<vmem>>
    %dma_start3A_39 = arith.constant 128 : i32
    %dma_start3A_40 = tpu.memref_slice %arg6[%dma_start3A_39] : memref<10240xi32, #tpu.memory_space<vmem>> -> memref<128xi32, #tpu.memory_space<vmem>>
    %dma_start3A_41 = arith.constant 0 : i32
    %dma_start3A_42 = arith.constant 0 : i32
    %dma_start3A_43 = tpu.memref_slice %arg2[%dma_start3A_41, %dma_start3A_42] : memref<10240x32xf32, #tpu.memory_space<hbm>> -> memref<10240x32xf32, #tpu.memory_space<hbm>>
    tpu.enqueue_indirect_dma source(%dma_start3A_43 : memref<10240x32xf32, #tpu.memory_space<hbm>>) target(%dma_start3A_38 : memref<128x32xf32, #tpu.memory_space<vmem>>) offsets(%dma_start3A_40 : memref<128xi32, #tpu.memory_space<vmem>>) semaphore(%arg11 : memref<!tpu.dma_semaphore, #tpu.memory_space<semaphore_mem>>)
    %dma_start3A_44 = arith.constant 2 : i32
    %dma_start3A_45 = arith.constant 0 : i32
    %dma_start3A_46 = arith.constant 0 : i32
    %dma_start3A_47 = tpu.memref_slice %arg8[%dma_start3A_44, %dma_start3A_45, %dma_start3A_46] : memref<6x128x32xf32, #tpu.memory_space<vmem>> -> memref<1x128x32xf32, #tpu.memory_space<vmem>>
    %dma_start3A_48 = tpu.memref_squeeze %dma_start3A_47 : memref<1x128x32xf32, #tpu.memory_space<vmem>> -> memref<128x32xf32, #tpu.memory_space<vmem>>
    %dma_start3A_49 = arith.constant 256 : i32
    %dma_start3A_50 = tpu.memref_slice %arg6[%dma_start3A_49] : memref<10240xi32, #tpu.memory_space<vmem>> -> memref<128xi32, #tpu.memory_space<vmem>>
    %dma_start3A_51 = arith.constant 0 : i32
    %dma_start3A_52 = arith.constant 0 : i32
    %dma_start3A_53 = tpu.memref_slice %arg2[%dma_start3A_51, %dma_start3A_52] : memref<10240x32xf32, #tpu.memory_space<hbm>> -> memref<10240x32xf32, #tpu.memory_space<hbm>>
    tpu.enqueue_indirect_dma source(%dma_start3A_53 : memref<10240x32xf32, #tpu.memory_space<hbm>>) target(%dma_start3A_48 : memref<128x32xf32, #tpu.memory_space<vmem>>) offsets(%dma_start3A_50 : memref<128xi32, #tpu.memory_space<vmem>>) semaphore(%arg11 : memref<!tpu.dma_semaphore, #tpu.memory_space<semaphore_mem>>)
    %dma_start3A_54 = arith.constant 3 : i32
    %dma_start3A_55 = arith.constant 0 : i32
    %dma_start3A_56 = arith.constant 0 : i32
    %dma_start3A_57 = tpu.memref_slice %arg8[%dma_start3A_54, %dma_start3A_55, %dma_start3A_56] : memref<6x128x32xf32, #tpu.memory_space<vmem>> -> memref<1x128x32xf32, #tpu.memory_space<vmem>>
    %dma_start3A_58 = tpu.memref_squeeze %dma_start3A_57 : memref<1x128x32xf32, #tpu.memory_space<vmem>> -> memref<128x32xf32, #tpu.memory_space<vmem>>
    %dma_start3A_59 = arith.constant 384 : i32
    %dma_start3A_60 = tpu.memref_slice %arg6[%dma_start3A_59] : memref<10240xi32, #tpu.memory_space<vmem>> -> memref<128xi32, #tpu.memory_space<vmem>>
    %dma_start3A_61 = arith.constant 0 : i32
    %dma_start3A_62 = arith.constant 0 : i32
    %dma_start3A_63 = tpu.memref_slice %arg2[%dma_start3A_61, %dma_start3A_62] : memref<10240x32xf32, #tpu.memory_space<hbm>> -> memref<10240x32xf32, #tpu.memory_space<hbm>>
    tpu.enqueue_indirect_dma source(%dma_start3A_63 : memref<10240x32xf32, #tpu.memory_space<hbm>>) target(%dma_start3A_58 : memref<128x32xf32, #tpu.memory_space<vmem>>) offsets(%dma_start3A_60 : memref<128xi32, #tpu.memory_space<vmem>>) semaphore(%arg11 : memref<!tpu.dma_semaphore, #tpu.memory_space<semaphore_mem>>)
    %while3A = arith.constant 0 : i32
    %while3A_64 = arith.constant 0 : i32
    %while3A_65 = arith.subi %select_n3A, %while3A : i32
    %while3A_66 = arith.addi %while3A, %while3A_65 : i32
    %while3A_67 = arith.constant 1 : i32
    %while3A_68 = arith.divsi %while3A_65, %while3A_67 : i32
    %while3A_69 = arith.muli %while3A_68, %while3A_67 : i32
    %while3A_70 = arith.addi %while3A, %while3A_69 : i32
    %while3A_71 = arith.constant 1 : i32
    %while3A_72 = scf.for %while3A_109 = %while3A to %while3A_70 step %while3A_71 iter_args(%while3A_110 = %while3A_64) -> (i32)  : i32 {
      %rem3A_111 = arith.constant 6 : i32
      %rem3A_112 = arith.remsi %while3A_109, %rem3A_111 : i32
      %add3A_113 = arith.constant 6 : i32
      %add3A_114 = arith.addi %while3A_109, %add3A_113 : i32
      %sub3A_115 = arith.constant 2 : i32
      %sub3A_116 = arith.subi %add3A_114, %sub3A_115 : i32
      %rem3A_117 = arith.constant 6 : i32
      %rem3A_118 = arith.remsi %sub3A_116, %rem3A_117 : i32
      %ge3A = arith.constant 2 : i32
      %ge3A_119 = arith.cmpi sge, %while3A_109, %ge3A : i32
      %convert_element_type3A_120 = arith.extui %ge3A_119 : i1 to i32
      %cond3A_121 = arith.constant 0 : i32
      %cond3A_122 = arith.cmpi ne, %convert_element_type3A_120, %cond3A_121 : i32
      scf.if %cond3A_122 {
        %sub3A_152 = arith.constant 2 : i32
        %sub3A_153 = arith.subi %while3A_109, %sub3A_152 : i32
        %mul3A_154 = arith.constant 128 : i32
        %mul3A_155 = arith.muli %sub3A_153, %mul3A_154 : i32
        %dma_wait3A_156 = arith.constant 0 : i32
        %dma_wait3A_157 = arith.constant 0 : i32
        %dma_wait3A_158 = tpu.memref_slice %arg8[%rem3A_118, %dma_wait3A_156, %dma_wait3A_157] : memref<6x128x32xf32, #tpu.memory_space<vmem>> -> memref<1x128x32xf32, #tpu.memory_space<vmem>>
        %dma_wait3A_159 = tpu.memref_squeeze %dma_wait3A_158 : memref<1x128x32xf32, #tpu.memory_space<vmem>> -> memref<128x32xf32, #tpu.memory_space<vmem>>
        %dma_wait3A_160 = tpu.memref_slice %arg7[%mul3A_155] : memref<10240xi32, #tpu.memory_space<vmem>> -> memref<128xi32, #tpu.memory_space<vmem>>
        %dma_wait3A_161 = arith.constant 0 : i32
        %dma_wait3A_162 = arith.constant 0 : i32
        %dma_wait3A_163 = tpu.memref_slice %arg10[%dma_wait3A_161, %dma_wait3A_162] : memref<10240x32xf32, #tpu.memory_space<vmem_shared>> -> memref<10240x32xf32, #tpu.memory_space<vmem_shared>>
        tpu.wait_indirect_dma semaphore(%arg12 : memref<!tpu.dma_semaphore, #tpu.memory_space<semaphore_mem>>) src(%dma_wait3A_159 : memref<128x32xf32, #tpu.memory_space<vmem>>) dst(%dma_wait3A_163 : memref<10240x32xf32, #tpu.memory_space<vmem_shared>>)
      } else {
      }
      %add3A_123 = arith.constant 6 : i32
      %add3A_124 = arith.addi %while3A_109, %add3A_123 : i32
      %sub3A_125 = arith.constant 2 : i32
      %sub3A_126 = arith.subi %add3A_124, %sub3A_125 : i32
      %lt3A_127 = arith.cmpi slt, %sub3A_126, %select_n3A : i32
      %convert_element_type3A_128 = arith.extui %lt3A_127 : i1 to i32
      %cond3A_129 = arith.constant 0 : i32
      %cond3A_130 = arith.cmpi ne, %convert_element_type3A_128, %cond3A_129 : i32
      scf.if %cond3A_130 {
        %add3A_152 = arith.constant 6 : i32
        %add3A_153 = arith.addi %while3A_109, %add3A_152 : i32
        %sub3A_154 = arith.constant 2 : i32
        %sub3A_155 = arith.subi %add3A_153, %sub3A_154 : i32
        %mul3A_156 = arith.constant 128 : i32
        %mul3A_157 = arith.muli %sub3A_155, %mul3A_156 : i32
        %dma_start3A_158 = arith.constant 0 : i32
        %dma_start3A_159 = arith.constant 0 : i32
        %dma_start3A_160 = tpu.memref_slice %arg8[%rem3A_118, %dma_start3A_158, %dma_start3A_159] : memref<6x128x32xf32, #tpu.memory_space<vmem>> -> memref<1x128x32xf32, #tpu.memory_space<vmem>>
        %dma_start3A_161 = tpu.memref_squeeze %dma_start3A_160 : memref<1x128x32xf32, #tpu.memory_space<vmem>> -> memref<128x32xf32, #tpu.memory_space<vmem>>
        %dma_start3A_162 = tpu.memref_slice %arg6[%mul3A_157] : memref<10240xi32, #tpu.memory_space<vmem>> -> memref<128xi32, #tpu.memory_space<vmem>>
        %dma_start3A_163 = arith.constant 0 : i32
        %dma_start3A_164 = arith.constant 0 : i32
        %dma_start3A_165 = tpu.memref_slice %arg2[%dma_start3A_163, %dma_start3A_164] : memref<10240x32xf32, #tpu.memory_space<hbm>> -> memref<10240x32xf32, #tpu.memory_space<hbm>>
        tpu.enqueue_indirect_dma source(%dma_start3A_165 : memref<10240x32xf32, #tpu.memory_space<hbm>>) target(%dma_start3A_161 : memref<128x32xf32, #tpu.memory_space<vmem>>) offsets(%dma_start3A_162 : memref<128xi32, #tpu.memory_space<vmem>>) semaphore(%arg11 : memref<!tpu.dma_semaphore, #tpu.memory_space<semaphore_mem>>)
      } else {
      }
      %mul3A_131 = arith.constant 128 : i32
      %mul3A_132 = arith.muli %while3A_109, %mul3A_131 : i32
      %dma_wait3A_133 = arith.constant 0 : i32
      %dma_wait3A_134 = arith.constant 0 : i32
      %dma_wait3A_135 = tpu.memref_slice %arg8[%rem3A_112, %dma_wait3A_133, %dma_wait3A_134] : memref<6x128x32xf32, #tpu.memory_space<vmem>> -> memref<1x128x32xf32, #tpu.memory_space<vmem>>
      %dma_wait3A_136 = tpu.memref_squeeze %dma_wait3A_135 : memref<1x128x32xf32, #tpu.memory_space<vmem>> -> memref<128x32xf32, #tpu.memory_space<vmem>>
      %dma_wait3A_137 = tpu.memref_slice %arg6[%mul3A_132] : memref<10240xi32, #tpu.memory_space<vmem>> -> memref<128xi32, #tpu.memory_space<vmem>>
      %dma_wait3A_138 = arith.constant 0 : i32
      %dma_wait3A_139 = arith.constant 0 : i32
      %dma_wait3A_140 = tpu.memref_slice %arg2[%dma_wait3A_138, %dma_wait3A_139] : memref<10240x32xf32, #tpu.memory_space<hbm>> -> memref<10240x32xf32, #tpu.memory_space<hbm>>
      tpu.wait_indirect_dma semaphore(%arg11 : memref<!tpu.dma_semaphore, #tpu.memory_space<semaphore_mem>>) src(%dma_wait3A_140 : memref<10240x32xf32, #tpu.memory_space<hbm>>) dst(%dma_wait3A_136 : memref<128x32xf32, #tpu.memory_space<vmem>>)
      %mul3A_141 = arith.constant 128 : i32
      %mul3A_142 = arith.muli %while3A_109, %mul3A_141 : i32
      %dma_start3A_143 = arith.constant 0 : i32
      %dma_start3A_144 = arith.constant 0 : i32
      %dma_start3A_145 = tpu.memref_slice %arg8[%rem3A_112, %dma_start3A_143, %dma_start3A_144] : memref<6x128x32xf32, #tpu.memory_space<vmem>> -> memref<1x128x32xf32, #tpu.memory_space<vmem>>
      %dma_start3A_146 = tpu.memref_squeeze %dma_start3A_145 : memref<1x128x32xf32, #tpu.memory_space<vmem>> -> memref<128x32xf32, #tpu.memory_space<vmem>>
      %dma_start3A_147 = tpu.memref_slice %arg7[%mul3A_142] : memref<10240xi32, #tpu.memory_space<vmem>> -> memref<128xi32, #tpu.memory_space<vmem>>
      %dma_start3A_148 = arith.constant 0 : i32
      %dma_start3A_149 = arith.constant 0 : i32
      %dma_start3A_150 = tpu.memref_slice %arg10[%dma_start3A_148, %dma_start3A_149] : memref<10240x32xf32, #tpu.memory_space<vmem_shared>> -> memref<10240x32xf32, #tpu.memory_space<vmem_shared>>
      tpu.enqueue_indirect_dma source(%dma_start3A_146 : memref<128x32xf32, #tpu.memory_space<vmem>>) target(%dma_start3A_150 : memref<10240x32xf32, #tpu.memory_space<vmem_shared>>) offsets(%dma_start3A_147 : memref<128xi32, #tpu.memory_space<vmem>>) semaphore(%arg12 : memref<!tpu.dma_semaphore, #tpu.memory_space<semaphore_mem>>) {add = true}
      %while3A_151 = arith.constant 0 : i32
      scf.yield %while3A_151 : i32
    }
    %while3A_73 = arith.constant 1 : i32
    %while3A_74 = scf.for %while3A_109 = %while3A_70 to %while3A_66 step %while3A_73 iter_args(%while3A_110 = %while3A_72) -> (i32)  : i32 {
      %rem3A_111 = arith.constant 6 : i32
      %rem3A_112 = arith.remsi %while3A_109, %rem3A_111 : i32
      %add3A_113 = arith.constant 6 : i32
      %add3A_114 = arith.addi %while3A_109, %add3A_113 : i32
      %sub3A_115 = arith.constant 2 : i32
      %sub3A_116 = arith.subi %add3A_114, %sub3A_115 : i32
      %rem3A_117 = arith.constant 6 : i32
      %rem3A_118 = arith.remsi %sub3A_116, %rem3A_117 : i32
      %ge3A = arith.constant 2 : i32
      %ge3A_119 = arith.cmpi sge, %while3A_109, %ge3A : i32
      %convert_element_type3A_120 = arith.extui %ge3A_119 : i1 to i32
      %cond3A_121 = arith.constant 0 : i32
      %cond3A_122 = arith.cmpi ne, %convert_element_type3A_120, %cond3A_121 : i32
      scf.if %cond3A_122 {
        %sub3A_152 = arith.constant 2 : i32
        %sub3A_153 = arith.subi %while3A_109, %sub3A_152 : i32
        %mul3A_154 = arith.constant 128 : i32
        %mul3A_155 = arith.muli %sub3A_153, %mul3A_154 : i32
        %dma_wait3A_156 = arith.constant 0 : i32
        %dma_wait3A_157 = arith.constant 0 : i32
        %dma_wait3A_158 = tpu.memref_slice %arg8[%rem3A_118, %dma_wait3A_156, %dma_wait3A_157] : memref<6x128x32xf32, #tpu.memory_space<vmem>> -> memref<1x128x32xf32, #tpu.memory_space<vmem>>
        %dma_wait3A_159 = tpu.memref_squeeze %dma_wait3A_158 : memref<1x128x32xf32, #tpu.memory_space<vmem>> -> memref<128x32xf32, #tpu.memory_space<vmem>>
        %dma_wait3A_160 = tpu.memref_slice %arg7[%mul3A_155] : memref<10240xi32, #tpu.memory_space<vmem>> -> memref<128xi32, #tpu.memory_space<vmem>>
        %dma_wait3A_161 = arith.constant 0 : i32
        %dma_wait3A_162 = arith.constant 0 : i32
        %dma_wait3A_163 = tpu.memref_slice %arg10[%dma_wait3A_161, %dma_wait3A_162] : memref<10240x32xf32, #tpu.memory_space<vmem_shared>> -> memref<10240x32xf32, #tpu.memory_space<vmem_shared>>
        tpu.wait_indirect_dma semaphore(%arg12 : memref<!tpu.dma_semaphore, #tpu.memory_space<semaphore_mem>>) src(%dma_wait3A_159 : memref<128x32xf32, #tpu.memory_space<vmem>>) dst(%dma_wait3A_163 : memref<10240x32xf32, #tpu.memory_space<vmem_shared>>)
      } else {
      }
      %add3A_123 = arith.constant 6 : i32
      %add3A_124 = arith.addi %while3A_109, %add3A_123 : i32
      %sub3A_125 = arith.constant 2 : i32
      %sub3A_126 = arith.subi %add3A_124, %sub3A_125 : i32
      %lt3A_127 = arith.cmpi slt, %sub3A_126, %select_n3A : i32
      %convert_element_type3A_128 = arith.extui %lt3A_127 : i1 to i32
      %cond3A_129 = arith.constant 0 : i32
      %cond3A_130 = arith.cmpi ne, %convert_element_type3A_128, %cond3A_129 : i32
      scf.if %cond3A_130 {
        %add3A_152 = arith.constant 6 : i32
        %add3A_153 = arith.addi %while3A_109, %add3A_152 : i32
        %sub3A_154 = arith.constant 2 : i32
        %sub3A_155 = arith.subi %add3A_153, %sub3A_154 : i32
        %mul3A_156 = arith.constant 128 : i32
        %mul3A_157 = arith.muli %sub3A_155, %mul3A_156 : i32
        %dma_start3A_158 = arith.constant 0 : i32
        %dma_start3A_159 = arith.constant 0 : i32
        %dma_start3A_160 = tpu.memref_slice %arg8[%rem3A_118, %dma_start3A_158, %dma_start3A_159] : memref<6x128x32xf32, #tpu.memory_space<vmem>> -> memref<1x128x32xf32, #tpu.memory_space<vmem>>
        %dma_start3A_161 = tpu.memref_squeeze %dma_start3A_160 : memref<1x128x32xf32, #tpu.memory_space<vmem>> -> memref<128x32xf32, #tpu.memory_space<vmem>>
        %dma_start3A_162 = tpu.memref_slice %arg6[%mul3A_157] : memref<10240xi32, #tpu.memory_space<vmem>> -> memref<128xi32, #tpu.memory_space<vmem>>
        %dma_start3A_163 = arith.constant 0 : i32
        %dma_start3A_164 = arith.constant 0 : i32
        %dma_start3A_165 = tpu.memref_slice %arg2[%dma_start3A_163, %dma_start3A_164] : memref<10240x32xf32, #tpu.memory_space<hbm>> -> memref<10240x32xf32, #tpu.memory_space<hbm>>
        tpu.enqueue_indirect_dma source(%dma_start3A_165 : memref<10240x32xf32, #tpu.memory_space<hbm>>) target(%dma_start3A_161 : memref<128x32xf32, #tpu.memory_space<vmem>>) offsets(%dma_start3A_162 : memref<128xi32, #tpu.memory_space<vmem>>) semaphore(%arg11 : memref<!tpu.dma_semaphore, #tpu.memory_space<semaphore_mem>>)
      } else {
      }
      %mul3A_131 = arith.constant 128 : i32
      %mul3A_132 = arith.muli %while3A_109, %mul3A_131 : i32
      %dma_wait3A_133 = arith.constant 0 : i32
      %dma_wait3A_134 = arith.constant 0 : i32
      %dma_wait3A_135 = tpu.memref_slice %arg8[%rem3A_112, %dma_wait3A_133, %dma_wait3A_134] : memref<6x128x32xf32, #tpu.memory_space<vmem>> -> memref<1x128x32xf32, #tpu.memory_space<vmem>>
      %dma_wait3A_136 = tpu.memref_squeeze %dma_wait3A_135 : memref<1x128x32xf32, #tpu.memory_space<vmem>> -> memref<128x32xf32, #tpu.memory_space<vmem>>
      %dma_wait3A_137 = tpu.memref_slice %arg6[%mul3A_132] : memref<10240xi32, #tpu.memory_space<vmem>> -> memref<128xi32, #tpu.memory_space<vmem>>
      %dma_wait3A_138 = arith.constant 0 : i32
      %dma_wait3A_139 = arith.constant 0 : i32
      %dma_wait3A_140 = tpu.memref_slice %arg2[%dma_wait3A_138, %dma_wait3A_139] : memref<10240x32xf32, #tpu.memory_space<hbm>> -> memref<10240x32xf32, #tpu.memory_space<hbm>>
      tpu.wait_indirect_dma semaphore(%arg11 : memref<!tpu.dma_semaphore, #tpu.memory_space<semaphore_mem>>) src(%dma_wait3A_140 : memref<10240x32xf32, #tpu.memory_space<hbm>>) dst(%dma_wait3A_136 : memref<128x32xf32, #tpu.memory_space<vmem>>)
      %mul3A_141 = arith.constant 128 : i32
      %mul3A_142 = arith.muli %while3A_109, %mul3A_141 : i32
      %dma_start3A_143 = arith.constant 0 : i32
      %dma_start3A_144 = arith.constant 0 : i32
      %dma_start3A_145 = tpu.memref_slice %arg8[%rem3A_112, %dma_start3A_143, %dma_start3A_144] : memref<6x128x32xf32, #tpu.memory_space<vmem>> -> memref<1x128x32xf32, #tpu.memory_space<vmem>>
      %dma_start3A_146 = tpu.memref_squeeze %dma_start3A_145 : memref<1x128x32xf32, #tpu.memory_space<vmem>> -> memref<128x32xf32, #tpu.memory_space<vmem>>
      %dma_start3A_147 = tpu.memref_slice %arg7[%mul3A_142] : memref<10240xi32, #tpu.memory_space<vmem>> -> memref<128xi32, #tpu.memory_space<vmem>>
      %dma_start3A_148 = arith.constant 0 : i32
      %dma_start3A_149 = arith.constant 0 : i32
      %dma_start3A_150 = tpu.memref_slice %arg10[%dma_start3A_148, %dma_start3A_149] : memref<10240x32xf32, #tpu.memory_space<vmem_shared>> -> memref<10240x32xf32, #tpu.memory_space<vmem_shared>>
      tpu.enqueue_indirect_dma source(%dma_start3A_146 : memref<128x32xf32, #tpu.memory_space<vmem>>) target(%dma_start3A_150 : memref<10240x32xf32, #tpu.memory_space<vmem_shared>>) offsets(%dma_start3A_147 : memref<128xi32, #tpu.memory_space<vmem>>) semaphore(%arg12 : memref<!tpu.dma_semaphore, #tpu.memory_space<semaphore_mem>>) {add = true}
      %while3A_151 = arith.constant 0 : i32
      scf.yield %while3A_151 : i32
    }
    %sub3A = arith.constant 2 : i32
    %sub3A_75 = arith.subi %select_n3A, %sub3A : i32
    %rem3A = arith.constant 6 : i32
    %rem3A_76 = arith.remsi %sub3A_75, %rem3A : i32
    %sub3A_77 = arith.constant 2 : i32
    %sub3A_78 = arith.subi %select_n3A, %sub3A_77 : i32
    %mul3A_79 = arith.constant 128 : i32
    %mul3A_80 = arith.muli %sub3A_78, %mul3A_79 : i32
    %dma_wait3A = arith.constant 0 : i32
    %dma_wait3A_81 = arith.constant 0 : i32
    %dma_wait3A_82 = tpu.memref_slice %arg8[%rem3A_76, %dma_wait3A, %dma_wait3A_81] : memref<6x128x32xf32, #tpu.memory_space<vmem>> -> memref<1x128x32xf32, #tpu.memory_space<vmem>>
    %dma_wait3A_83 = tpu.memref_squeeze %dma_wait3A_82 : memref<1x128x32xf32, #tpu.memory_space<vmem>> -> memref<128x32xf32, #tpu.memory_space<vmem>>
    %dma_wait3A_84 = tpu.memref_slice %arg7[%mul3A_80] : memref<10240xi32, #tpu.memory_space<vmem>> -> memref<128xi32, #tpu.memory_space<vmem>>
    %dma_wait3A_85 = arith.constant 0 : i32
    %dma_wait3A_86 = arith.constant 0 : i32
    %dma_wait3A_87 = tpu.memref_slice %arg10[%dma_wait3A_85, %dma_wait3A_86] : memref<10240x32xf32, #tpu.memory_space<vmem_shared>> -> memref<10240x32xf32, #tpu.memory_space<vmem_shared>>
    tpu.wait_indirect_dma semaphore(%arg12 : memref<!tpu.dma_semaphore, #tpu.memory_space<semaphore_mem>>) src(%dma_wait3A_83 : memref<128x32xf32, #tpu.memory_space<vmem>>) dst(%dma_wait3A_87 : memref<10240x32xf32, #tpu.memory_space<vmem_shared>>)
    %sub3A_88 = arith.constant 1 : i32
    %sub3A_89 = arith.subi %select_n3A, %sub3A_88 : i32
    %rem3A_90 = arith.constant 6 : i32
    %rem3A_91 = arith.remsi %sub3A_89, %rem3A_90 : i32
    %sub3A_92 = arith.constant 1 : i32
    %sub3A_93 = arith.subi %select_n3A, %sub3A_92 : i32
    %mul3A_94 = arith.constant 128 : i32
    %mul3A_95 = arith.muli %sub3A_93, %mul3A_94 : i32
    %dma_wait3A_96 = arith.constant 0 : i32
    %dma_wait3A_97 = arith.constant 0 : i32
    %dma_wait3A_98 = tpu.memref_slice %arg8[%rem3A_91, %dma_wait3A_96, %dma_wait3A_97] : memref<6x128x32xf32, #tpu.memory_space<vmem>> -> memref<1x128x32xf32, #tpu.memory_space<vmem>>
    %dma_wait3A_99 = tpu.memref_squeeze %dma_wait3A_98 : memref<1x128x32xf32, #tpu.memory_space<vmem>> -> memref<128x32xf32, #tpu.memory_space<vmem>>
    %dma_wait3A_100 = tpu.memref_slice %arg7[%mul3A_95] : memref<10240xi32, #tpu.memory_space<vmem>> -> memref<128xi32, #tpu.memory_space<vmem>>
    %dma_wait3A_101 = arith.constant 0 : i32
    %dma_wait3A_102 = arith.constant 0 : i32
    %dma_wait3A_103 = tpu.memref_slice %arg10[%dma_wait3A_101, %dma_wait3A_102] : memref<10240x32xf32, #tpu.memory_space<vmem_shared>> -> memref<10240x32xf32, #tpu.memory_space<vmem_shared>>
    tpu.wait_indirect_dma semaphore(%arg12 : memref<!tpu.dma_semaphore, #tpu.memory_space<semaphore_mem>>) src(%dma_wait3A_99 : memref<128x32xf32, #tpu.memory_space<vmem>>) dst(%dma_wait3A_103 : memref<10240x32xf32, #tpu.memory_space<vmem_shared>>)
    %barrier3A_104 = arith.constant 0 : index
    tpu.barrier barrier_id(%barrier3A_104)
    %mul3A_105 = arith.constant 640 : i32
    %mul3A_106 = arith.muli %arg1, %mul3A_105 : i32
    %mul3A_107 = arith.constant 640 : i32
    %mul3A_108 = arith.muli %arg1, %mul3A_107 : i32
    "tpu.region"() ({
      %run_scoped3A = tpu.sem_alloc : memref<!tpu.dma_semaphore, #tpu.memory_space<semaphore_mem>>
      %dma_start3A_109 = arith.constant 0 : i32
      %dma_start3A_110 = tpu.memref_slice %arg5[%arg0, %mul3A_108, %dma_start3A_109] : memref<2x10240x32xf32, #tpu.memory_space<hbm>> -> memref<1x640x32xf32, #tpu.memory_space<hbm>>
      %dma_start3A_111 = tpu.memref_squeeze %dma_start3A_110 : memref<1x640x32xf32, #tpu.memory_space<hbm>> -> memref<640x32xf32, #tpu.memory_space<hbm>>
      %dma_start3A_112 = arith.constant 0 : i32
      %dma_start3A_113 = tpu.memref_slice %arg10[%mul3A_106, %dma_start3A_112] : memref<10240x32xf32, #tpu.memory_space<vmem_shared>> -> memref<640x32xf32, #tpu.memory_space<vmem_shared>>
      tpu.enqueue_dma source(%dma_start3A_113 : memref<640x32xf32, #tpu.memory_space<vmem_shared>>) target(%dma_start3A_111 : memref<640x32xf32, #tpu.memory_space<hbm>>) target_semaphore(%run_scoped3A : memref<!tpu.dma_semaphore, #tpu.memory_space<semaphore_mem>>)
      %dma_wait3A_114 = arith.constant 0 : i32
      %dma_wait3A_115 = tpu.memref_slice %arg5[%arg0, %mul3A_108, %dma_wait3A_114] : memref<2x10240x32xf32, #tpu.memory_space<hbm>> -> memref<1x640x32xf32, #tpu.memory_space<hbm>>
      %dma_wait3A_116 = tpu.memref_squeeze %dma_wait3A_115 : memref<1x640x32xf32, #tpu.memory_space<hbm>> -> memref<640x32xf32, #tpu.memory_space<hbm>>
      %dma_wait3A_117 = arith.constant 0 : i32
      %dma_wait3A_118 = tpu.memref_slice %arg10[%mul3A_106, %dma_wait3A_117] : memref<10240x32xf32, #tpu.memory_space<vmem_shared>> -> memref<640x32xf32, #tpu.memory_space<vmem_shared>>
      tpu.wait_dma2 semaphore(%run_scoped3A : memref<!tpu.dma_semaphore, #tpu.memory_space<semaphore_mem>>) src(%dma_wait3A_118 : memref<640x32xf32, #tpu.memory_space<vmem_shared>>) dst(%dma_wait3A_116 : memref<640x32xf32, #tpu.memory_space<hbm>>)
      tpu.yield
    }) : () -> ()
    return
  }
}

#map = affine_map<(d0, d1) -> (0, 0)>
#map1 = affine_map<(d0, d1) -> (0)>
#map2 = affine_map<(d0, d1) -> (0, 0, 0)>
module attributes {stable_mosaic.version = 14 : i64} {
  func.func @_spmm_kernel(%arg0: i32, %arg1: i32, %arg2: memref<10240x32xf32, #tpu.memory_space<hbm>>, %arg3: memref<320000xi32, #tpu.memory_space<hbm>>, %arg4: memref<320000xi32, #tpu.memory_space<hbm>>, %arg5: memref<2x10240x32xf32, #tpu.memory_space<hbm>>, %arg6: memref<10240xi32, #tpu.memory_space<vmem>>, %arg7: memref<10240xi32, #tpu.memory_space<vmem>>, %arg8: memref<6x128x32xf32, #tpu.memory_space<vmem>>, %arg9: memref<40x32xf32, #tpu.memory_space<vmem>>, %arg10: memref<10240x32xf32, #tpu.memory_space<vmem_shared>>, %arg11: memref<!tpu.dma_semaphore, #tpu.memory_space<semaphore_mem>>, %arg12: memref<!tpu.dma_semaphore, #tpu.memory_space<semaphore_mem>>) attributes {dimension_semantics = [#tpu.dimension_semantics<core_parallel>, #tpu.dimension_semantics<subcore_parallel>], iteration_bounds = array<i64: 2, 16>, scalar_prefetch = 0 : i64, scratch_operands = 7 : i64, tpu.core_type = #tpu.core_type<sc_vector_subcore>, window_params = [{transform_indices = #map}, {transform_indices = #map1}, {transform_indices = #map1}, {transform_indices = #map2}]} {
    %mul3A = arith.constant 2 : i32
    %mul3A_0 = arith.muli %arg1, %mul3A : i32
    %add3A = arith.addi %mul3A_0, %arg0 : i32
    %mul3A_1 = arith.constant 80 : i32
    %mul3A_2 = arith.muli %mul3A_1, %add3A : i32
    %lt3A = arith.constant 31 : i32
    %lt3A_3 = arith.cmpi slt, %add3A, %lt3A : i32
    %jit3A = arith.constant 80 : i32
    %jit3A_4 = arith.constant 20 : i32
    %select_n3A = arith.select %lt3A_3, %jit3A, %jit3A_4 : i32
    %scan3A = arith.constant 0 : i32
    %scan3A_5 = arith.constant 0 : i32
    %scan3A_6 = arith.constant 80 : i32
    %scan3A_7 = arith.addi %scan3A_5, %scan3A_6 : i32
    %scan3A_8 = arith.constant 1 : i32
    %scan3A_9 = scf.for %scan3A_109 = %scan3A_5 to %scan3A_7 step %scan3A_8 iter_args(%scan3A_110 = %scan3A) -> (i32)  : i32 {
      %broadcast_in_dim3A = arith.constant 0.000000e+00 : f32
      %broadcast_in_dim3A_111 = vector.broadcast %broadcast_in_dim3A : f32 to vector<16xf32>
      %jit3A_112 = arith.constant 2 : i32
      %div3A = arith.divsi %scan3A_109, %jit3A_112 : i32
      %sign3A = arith.constant 0 : i32
      %sign3A_113 = arith.cmpi sgt, %scan3A_109, %sign3A : i32
      %sign3A_114 = arith.extui %sign3A_113 : i1 to i32
      %sign3A_115 = arith.constant 0 : i32
      %sign3A_116 = arith.cmpi slt, %scan3A_109, %sign3A_115 : i32
      %sign3A_117 = arith.extui %sign3A_116 : i1 to i32
      %sign3A_118 = arith.subi %sign3A_114, %sign3A_117 : i32
      %sign3A_119 = arith.constant 0 : i32
      %sign3A_120 = arith.cmpi sgt, %jit3A_112, %sign3A_119 : i32
      %sign3A_121 = arith.extui %sign3A_120 : i1 to i32
      %sign3A_122 = arith.constant 0 : i32
      %sign3A_123 = arith.cmpi slt, %jit3A_112, %sign3A_122 : i32
      %sign3A_124 = arith.extui %sign3A_123 : i1 to i32
      %sign3A_125 = arith.subi %sign3A_121, %sign3A_124 : i32
      %ne3A = arith.cmpi ne, %sign3A_118, %sign3A_125 : i32
      %rem3A_126 = arith.remsi %scan3A_109, %jit3A_112 : i32
      %ne3A_127 = arith.constant 0 : i32
      %ne3A_128 = arith.cmpi ne, %rem3A_126, %ne3A_127 : i32
      %and3A = arith.andi %ne3A, %ne3A_128 : i1
      %sub3A_129 = arith.constant 1 : i32
      %sub3A_130 = arith.subi %div3A, %sub3A_129 : i32
      %select_n3A_131 = arith.select %and3A, %sub3A_130, %div3A : i32
      %jit3A_132 = arith.constant 2 : i32
      %eq3A_133 = arith.constant 0 : i32
      %eq3A_134 = arith.cmpi eq, %jit3A_132, %eq3A_133 : i32
      %jit3A_135 = arith.constant 1 : i32
      %select_n3A_136 = arith.select %eq3A_134, %jit3A_135, %jit3A_132 : i32
      %rem3A_137 = arith.remsi %scan3A_109, %select_n3A_136 : i32
      %ne3A_138 = arith.constant 0 : i32
      %ne3A_139 = arith.cmpi ne, %rem3A_137, %ne3A_138 : i32
      %lt3A_140 = arith.constant 0 : i32
      %lt3A_141 = arith.cmpi slt, %rem3A_137, %lt3A_140 : i32
      %lt3A_142 = arith.constant 0 : i32
      %lt3A_143 = arith.cmpi slt, %select_n3A_136, %lt3A_142 : i32
      %ne3A_144 = arith.xori %lt3A_141, %lt3A_143 : i1
      %and3A_145 = arith.andi %ne3A_144, %ne3A_139 : i1
      %add3A_146 = arith.addi %rem3A_137, %select_n3A_136 : i32
      %select_n3A_147 = arith.select %and3A_145, %add3A_146, %rem3A_137 : i32
      %mul3A_148 = arith.constant 16 : i32
      %mul3A_149 = arith.muli %select_n3A_147, %mul3A_148 : i32
      %swap3A = arith.index_cast %select_n3A_131 : i32 to index
      %swap3A_150 = arith.index_cast %mul3A_149 : i32 to index
      %swap3A_151 = tpu.vector_load %arg9[%swap3A, %swap3A_150] {strides = array<i32>} : memref<40x32xf32, #tpu.memory_space<vmem>>, vector<1x16xf32>,
      %swap3A_152 = vector.shape_cast %swap3A_151 : vector<1x16xf32> to vector<16xf32>
      %swap3A_153 = vector.shape_cast %broadcast_in_dim3A_111 : vector<16xf32> to vector<1x16xf32>
      tpu.vector_store %arg9[%swap3A, %swap3A_150], %swap3A_153 {strides = array<i32>} : memref<40x32xf32, #tpu.memory_space<vmem>>, vector<1x16xf32>,
      %scan3A_154 = arith.constant 0 : i32
      scf.yield %scan3A_154 : i32
    }
    %scan3A_10 = arith.constant 80 : i32
    %scan3A_11 = arith.constant 0 : i32
    %scan3A_12 = arith.constant 0 : i32
    %scan3A_13 = arith.constant 16 : i32
    %scan3A_14 = arith.addi %scan3A_12, %scan3A_13 : i32
    %scan3A_15 = arith.constant 1 : i32
    %scan3A_16 = scf.for %scan3A_109 = %scan3A_12 to %scan3A_14 step %scan3A_15 iter_args(%scan3A_110 = %scan3A_11) -> (i32)  : i32 {
      %mul3A_111 = arith.constant 640 : i32
      %mul3A_112 = arith.muli %arg1, %mul3A_111 : i32
      %mul3A_113 = arith.constant 40 : i32
      %mul3A_114 = arith.muli %scan3A_109, %mul3A_113 : i32
      %add3A_115 = arith.addi %mul3A_112, %mul3A_114 : i32
      "tpu.region"() ({
        %run_scoped3A = tpu.sem_alloc : memref<!tpu.dma_semaphore, #tpu.memory_space<semaphore_mem>>
        %dma_start3A_117 = arith.constant 0 : i32
        %dma_start3A_118 = tpu.memref_slice %arg10[%add3A_115, %dma_start3A_117] : memref<10240x32xf32, #tpu.memory_space<vmem_shared>> -> memref<40x32xf32, #tpu.memory_space<vmem_shared>>
        %dma_start3A_119 = arith.constant 0 : i32
        %dma_start3A_120 = tpu.memref_slice %arg10[%add3A_115, %dma_start3A_119] : memref<10240x32xf32, #tpu.memory_space<vmem_shared>> -> memref<40x32xf32, #tpu.memory_space<vmem_shared>>
        tpu.enqueue_dma source(%arg9 : memref<40x32xf32, #tpu.memory_space<vmem>>) target(%dma_start3A_120 : memref<40x32xf32, #tpu.memory_space<vmem_shared>>) target_semaphore(%run_scoped3A : memref<!tpu.dma_semaphore, #tpu.memory_space<semaphore_mem>>)
        %dma_wait3A_121 = arith.constant 0 : i32
        %dma_wait3A_122 = tpu.memref_slice %arg10[%add3A_115, %dma_wait3A_121] : memref<10240x32xf32, #tpu.memory_space<vmem_shared>> -> memref<40x32xf32, #tpu.memory_space<vmem_shared>>
        %dma_wait3A_123 = arith.constant 0 : i32
        %dma_wait3A_124 = tpu.memref_slice %arg10[%add3A_115, %dma_wait3A_123] : memref<10240x32xf32, #tpu.memory_space<vmem_shared>> -> memref<40x32xf32, #tpu.memory_space<vmem_shared>>
        tpu.wait_dma2 semaphore(%run_scoped3A : memref<!tpu.dma_semaphore, #tpu.memory_space<semaphore_mem>>) src(%arg9 : memref<40x32xf32, #tpu.memory_space<vmem>>) dst(%dma_wait3A_124 : memref<40x32xf32, #tpu.memory_space<vmem_shared>>)
        tpu.yield
      }) : () -> ()
      %scan3A_116 = arith.constant 0 : i32
      scf.yield %scan3A_116 : i32
    }
    %scan3A_17 = arith.constant 16 : i32
    %lt3A_18 = arith.constant 31 : i32
    %lt3A_19 = arith.cmpi slt, %add3A, %lt3A_18 : i32
    %convert_element_type3A = arith.extui %lt3A_19 : i1 to i32
    %cond3A = arith.constant 0 : i32
    %cond3A_20 = arith.cmpi ne, %convert_element_type3A, %cond3A : i32
    scf.if %cond3A_20 {
      %mul3A_109 = arith.constant 128 : i32
      %mul3A_110 = arith.muli %mul3A_2, %mul3A_109 : i32
      "tpu.region"() ({
        %run_scoped3A = tpu.sem_alloc : memref<!tpu.dma_semaphore, #tpu.memory_space<semaphore_mem>>
        %dma_start3A_113 = tpu.memref_slice %arg3[%mul3A_110] : memref<320000xi32, #tpu.memory_space<hbm>> -> memref<10240xi32, #tpu.memory_space<hbm>>
        %dma_start3A_114 = tpu.memref_slice %arg3[%mul3A_110] : memref<320000xi32, #tpu.memory_space<hbm>> -> memref<10240xi32, #tpu.memory_space<hbm>>
        tpu.enqueue_dma source(%dma_start3A_114 : memref<10240xi32, #tpu.memory_space<hbm>>) target(%arg6 : memref<10240xi32, #tpu.memory_space<vmem>>) target_semaphore(%run_scoped3A : memref<!tpu.dma_semaphore, #tpu.memory_space<semaphore_mem>>)
        %dma_wait3A_115 = tpu.memref_slice %arg3[%mul3A_110] : memref<320000xi32, #tpu.memory_space<hbm>> -> memref<10240xi32, #tpu.memory_space<hbm>>
        %dma_wait3A_116 = tpu.memref_slice %arg3[%mul3A_110] : memref<320000xi32, #tpu.memory_space<hbm>> -> memref<10240xi32, #tpu.memory_space<hbm>>
        tpu.wait_dma2 semaphore(%run_scoped3A : memref<!tpu.dma_semaphore, #tpu.memory_space<semaphore_mem>>) src(%dma_wait3A_116 : memref<10240xi32, #tpu.memory_space<hbm>>) dst(%arg6 : memref<10240xi32, #tpu.memory_space<vmem>>)
        tpu.yield
      }) : () -> ()
      %mul3A_111 = arith.constant 128 : i32
      %mul3A_112 = arith.muli %mul3A_2, %mul3A_111 : i32
      "tpu.region"() ({
        %run_scoped3A = tpu.sem_alloc : memref<!tpu.dma_semaphore, #tpu.memory_space<semaphore_mem>>
        %dma_start3A_113 = tpu.memref_slice %arg4[%mul3A_112] : memref<320000xi32, #tpu.memory_space<hbm>> -> memref<10240xi32, #tpu.memory_space<hbm>>
        %dma_start3A_114 = tpu.memref_slice %arg4[%mul3A_112] : memref<320000xi32, #tpu.memory_space<hbm>> -> memref<10240xi32, #tpu.memory_space<hbm>>
        tpu.enqueue_dma source(%dma_start3A_114 : memref<10240xi32, #tpu.memory_space<hbm>>) target(%arg7 : memref<10240xi32, #tpu.memory_space<vmem>>) target_semaphore(%run_scoped3A : memref<!tpu.dma_semaphore, #tpu.memory_space<semaphore_mem>>)
        %dma_wait3A_115 = tpu.memref_slice %arg4[%mul3A_112] : memref<320000xi32, #tpu.memory_space<hbm>> -> memref<10240xi32, #tpu.memory_space<hbm>>
        %dma_wait3A_116 = tpu.memref_slice %arg4[%mul3A_112] : memref<320000xi32, #tpu.memory_space<hbm>> -> memref<10240xi32, #tpu.memory_space<hbm>>
        tpu.wait_dma2 semaphore(%run_scoped3A : memref<!tpu.dma_semaphore, #tpu.memory_space<semaphore_mem>>) src(%dma_wait3A_116 : memref<10240xi32, #tpu.memory_space<hbm>>) dst(%arg7 : memref<10240xi32, #tpu.memory_space<vmem>>)
        tpu.yield
      }) : () -> ()
    } else {
    }
    %eq3A = arith.constant 31 : i32
    %eq3A_21 = arith.cmpi eq, %add3A, %eq3A : i32
    %convert_element_type3A_22 = arith.extui %eq3A_21 : i1 to i32
    %cond3A_23 = arith.constant 0 : i32
    %cond3A_24 = arith.cmpi ne, %convert_element_type3A_22, %cond3A_23 : i32
    scf.if %cond3A_24 {
      %mul3A_109 = arith.constant 128 : i32
      %mul3A_110 = arith.muli %mul3A_2, %mul3A_109 : i32
      "tpu.region"() ({
        %run_scoped3A = tpu.sem_alloc : memref<!tpu.dma_semaphore, #tpu.memory_space<semaphore_mem>>
        %dma_start3A_113 = arith.constant 0 : i32
        %dma_start3A_114 = tpu.memref_slice %arg6[%dma_start3A_113] : memref<10240xi32, #tpu.memory_space<vmem>> -> memref<3072xi32, #tpu.memory_space<vmem>>
        %dma_start3A_115 = tpu.memref_slice %arg3[%mul3A_110] : memref<320000xi32, #tpu.memory_space<hbm>> -> memref<3072xi32, #tpu.memory_space<hbm>>
        %dma_start3A_116 = arith.constant 0 : i32
        %dma_start3A_117 = tpu.memref_slice %arg6[%dma_start3A_116] : memref<10240xi32, #tpu.memory_space<vmem>> -> memref<3072xi32, #tpu.memory_space<vmem>>
        %dma_start3A_118 = tpu.memref_slice %arg3[%mul3A_110] : memref<320000xi32, #tpu.memory_space<hbm>> -> memref<3072xi32, #tpu.memory_space<hbm>>
        tpu.enqueue_dma source(%dma_start3A_118 : memref<3072xi32, #tpu.memory_space<hbm>>) target(%dma_start3A_117 : memref<3072xi32, #tpu.memory_space<vmem>>) target_semaphore(%run_scoped3A : memref<!tpu.dma_semaphore, #tpu.memory_space<semaphore_mem>>)
        %dma_wait3A_119 = arith.constant 0 : i32
        %dma_wait3A_120 = tpu.memref_slice %arg6[%dma_wait3A_119] : memref<10240xi32, #tpu.memory_space<vmem>> -> memref<3072xi32, #tpu.memory_space<vmem>>
        %dma_wait3A_121 = tpu.memref_slice %arg3[%mul3A_110] : memref<320000xi32, #tpu.memory_space<hbm>> -> memref<3072xi32, #tpu.memory_space<hbm>>
        %dma_wait3A_122 = arith.constant 0 : i32
        %dma_wait3A_123 = tpu.memref_slice %arg6[%dma_wait3A_122] : memref<10240xi32, #tpu.memory_space<vmem>> -> memref<3072xi32, #tpu.memory_space<vmem>>
        %dma_wait3A_124 = tpu.memref_slice %arg3[%mul3A_110] : memref<320000xi32, #tpu.memory_space<hbm>> -> memref<3072xi32, #tpu.memory_space<hbm>>
        tpu.wait_dma2 semaphore(%run_scoped3A : memref<!tpu.dma_semaphore, #tpu.memory_space<semaphore_mem>>) src(%dma_wait3A_124 : memref<3072xi32, #tpu.memory_space<hbm>>) dst(%dma_wait3A_123 : memref<3072xi32, #tpu.memory_space<vmem>>)
        tpu.yield
      }) : () -> ()
      %mul3A_111 = arith.constant 128 : i32
      %mul3A_112 = arith.muli %mul3A_2, %mul3A_111 : i32
      "tpu.region"() ({
        %run_scoped3A = tpu.sem_alloc : memref<!tpu.dma_semaphore, #tpu.memory_space<semaphore_mem>>
        %dma_start3A_113 = arith.constant 0 : i32
        %dma_start3A_114 = tpu.memref_slice %arg7[%dma_start3A_113] : memref<10240xi32, #tpu.memory_space<vmem>> -> memref<3072xi32, #tpu.memory_space<vmem>>
        %dma_start3A_115 = tpu.memref_slice %arg4[%mul3A_112] : memref<320000xi32, #tpu.memory_space<hbm>> -> memref<3072xi32, #tpu.memory_space<hbm>>
        %dma_start3A_116 = arith.constant 0 : i32
        %dma_start3A_117 = tpu.memref_slice %arg7[%dma_start3A_116] : memref<10240xi32, #tpu.memory_space<vmem>> -> memref<3072xi32, #tpu.memory_space<vmem>>
        %dma_start3A_118 = tpu.memref_slice %arg4[%mul3A_112] : memref<320000xi32, #tpu.memory_space<hbm>> -> memref<3072xi32, #tpu.memory_space<hbm>>
        tpu.enqueue_dma source(%dma_start3A_118 : memref<3072xi32, #tpu.memory_space<hbm>>) target(%dma_start3A_117 : memref<3072xi32, #tpu.memory_space<vmem>>) target_semaphore(%run_scoped3A : memref<!tpu.dma_semaphore, #tpu.memory_space<semaphore_mem>>)
        %dma_wait3A_119 = arith.constant 0 : i32
        %dma_wait3A_120 = tpu.memref_slice %arg7[%dma_wait3A_119] : memref<10240xi32, #tpu.memory_space<vmem>> -> memref<3072xi32, #tpu.memory_space<vmem>>
        %dma_wait3A_121 = tpu.memref_slice %arg4[%mul3A_112] : memref<320000xi32, #tpu.memory_space<hbm>> -> memref<3072xi32, #tpu.memory_space<hbm>>
        %dma_wait3A_122 = arith.constant 0 : i32
        %dma_wait3A_123 = tpu.memref_slice %arg7[%dma_wait3A_122] : memref<10240xi32, #tpu.memory_space<vmem>> -> memref<3072xi32, #tpu.memory_space<vmem>>
        %dma_wait3A_124 = tpu.memref_slice %arg4[%mul3A_112] : memref<320000xi32, #tpu.memory_space<hbm>> -> memref<3072xi32, #tpu.memory_space<hbm>>
        tpu.wait_dma2 semaphore(%run_scoped3A : memref<!tpu.dma_semaphore, #tpu.memory_space<semaphore_mem>>) src(%dma_wait3A_124 : memref<3072xi32, #tpu.memory_space<hbm>>) dst(%dma_wait3A_123 : memref<3072xi32, #tpu.memory_space<vmem>>)
        tpu.yield
      }) : () -> ()
    } else {
    }
    %barrier3A = arith.constant 0 : index
    tpu.barrier barrier_id(%barrier3A)
    %dma_start3A = arith.constant 0 : i32
    %dma_start3A_25 = arith.constant 0 : i32
    %dma_start3A_26 = arith.constant 0 : i32
    %dma_start3A_27 = tpu.memref_slice %arg8[%dma_start3A, %dma_start3A_25, %dma_start3A_26] : memref<6x128x32xf32, #tpu.memory_space<vmem>> -> memref<1x128x32xf32, #tpu.memory_space<vmem>>
    %dma_start3A_28 = tpu.memref_squeeze %dma_start3A_27 : memref<1x128x32xf32, #tpu.memory_space<vmem>> -> memref<128x32xf32, #tpu.memory_space<vmem>>
    %dma_start3A_29 = arith.constant 0 : i32
    %dma_start3A_30 = tpu.memref_slice %arg6[%dma_start3A_29] : memref<10240xi32, #tpu.memory_space<vmem>> -> memref<128xi32, #tpu.memory_space<vmem>>
    %dma_start3A_31 = arith.constant 0 : i32
    %dma_start3A_32 = arith.constant 0 : i32
    %dma_start3A_33 = tpu.memref_slice %arg2[%dma_start3A_31, %dma_start3A_32] : memref<10240x32xf32, #tpu.memory_space<hbm>> -> memref<10240x32xf32, #tpu.memory_space<hbm>>
    tpu.enqueue_indirect_dma source(%dma_start3A_33 : memref<10240x32xf32, #tpu.memory_space<hbm>>) target(%dma_start3A_28 : memref<128x32xf32, #tpu.memory_space<vmem>>) offsets(%dma_start3A_30 : memref<128xi32, #tpu.memory_space<vmem>>) semaphore(%arg11 : memref<!tpu.dma_semaphore, #tpu.memory_space<semaphore_mem>>)
    %dma_start3A_34 = arith.constant 1 : i32
    %dma_start3A_35 = arith.constant 0 : i32
    %dma_start3A_36 = arith.constant 0 : i32
    %dma_start3A_37 = tpu.memref_slice %arg8[%dma_start3A_34, %dma_start3A_35, %dma_start3A_36] : memref<6x128x32xf32, #tpu.memory_space<vmem>> -> memref<1x128x32xf32, #tpu.memory_space<vmem>>
    %dma_start3A_38 = tpu.memref_squeeze %dma_start3A_37 : memref<1x128x32xf32, #tpu.memory_space<vmem>> -> memref<128x32xf32, #tpu.memory_space<vmem>>
    %dma_start3A_39 = arith.constant 128 : i32
    %dma_start3A_40 = tpu.memref_slice %arg6[%dma_start3A_39] : memref<10240xi32, #tpu.memory_space<vmem>> -> memref<128xi32, #tpu.memory_space<vmem>>
    %dma_start3A_41 = arith.constant 0 : i32
    %dma_start3A_42 = arith.constant 0 : i32
    %dma_start3A_43 = tpu.memref_slice %arg2[%dma_start3A_41, %dma_start3A_42] : memref<10240x32xf32, #tpu.memory_space<hbm>> -> memref<10240x32xf32, #tpu.memory_space<hbm>>
    tpu.enqueue_indirect_dma source(%dma_start3A_43 : memref<10240x32xf32, #tpu.memory_space<hbm>>) target(%dma_start3A_38 : memref<128x32xf32, #tpu.memory_space<vmem>>) offsets(%dma_start3A_40 : memref<128xi32, #tpu.memory_space<vmem>>) semaphore(%arg11 : memref<!tpu.dma_semaphore, #tpu.memory_space<semaphore_mem>>)
    %dma_start3A_44 = arith.constant 2 : i32
    %dma_start3A_45 = arith.constant 0 : i32
    %dma_start3A_46 = arith.constant 0 : i32
    %dma_start3A_47 = tpu.memref_slice %arg8[%dma_start3A_44, %dma_start3A_45, %dma_start3A_46] : memref<6x128x32xf32, #tpu.memory_space<vmem>> -> memref<1x128x32xf32, #tpu.memory_space<vmem>>
    %dma_start3A_48 = tpu.memref_squeeze %dma_start3A_47 : memref<1x128x32xf32, #tpu.memory_space<vmem>> -> memref<128x32xf32, #tpu.memory_space<vmem>>
    %dma_start3A_49 = arith.constant 256 : i32
    %dma_start3A_50 = tpu.memref_slice %arg6[%dma_start3A_49] : memref<10240xi32, #tpu.memory_space<vmem>> -> memref<128xi32, #tpu.memory_space<vmem>>
    %dma_start3A_51 = arith.constant 0 : i32
    %dma_start3A_52 = arith.constant 0 : i32
    %dma_start3A_53 = tpu.memref_slice %arg2[%dma_start3A_51, %dma_start3A_52] : memref<10240x32xf32, #tpu.memory_space<hbm>> -> memref<10240x32xf32, #tpu.memory_space<hbm>>
    tpu.enqueue_indirect_dma source(%dma_start3A_53 : memref<10240x32xf32, #tpu.memory_space<hbm>>) target(%dma_start3A_48 : memref<128x32xf32, #tpu.memory_space<vmem>>) offsets(%dma_start3A_50 : memref<128xi32, #tpu.memory_space<vmem>>) semaphore(%arg11 : memref<!tpu.dma_semaphore, #tpu.memory_space<semaphore_mem>>)
    %dma_start3A_54 = arith.constant 3 : i32
    %dma_start3A_55 = arith.constant 0 : i32
    %dma_start3A_56 = arith.constant 0 : i32
    %dma_start3A_57 = tpu.memref_slice %arg8[%dma_start3A_54, %dma_start3A_55, %dma_start3A_56] : memref<6x128x32xf32, #tpu.memory_space<vmem>> -> memref<1x128x32xf32, #tpu.memory_space<vmem>>
    %dma_start3A_58 = tpu.memref_squeeze %dma_start3A_57 : memref<1x128x32xf32, #tpu.memory_space<vmem>> -> memref<128x32xf32, #tpu.memory_space<vmem>>
    %dma_start3A_59 = arith.constant 384 : i32
    %dma_start3A_60 = tpu.memref_slice %arg6[%dma_start3A_59] : memref<10240xi32, #tpu.memory_space<vmem>> -> memref<128xi32, #tpu.memory_space<vmem>>
    %dma_start3A_61 = arith.constant 0 : i32
    %dma_start3A_62 = arith.constant 0 : i32
    %dma_start3A_63 = tpu.memref_slice %arg2[%dma_start3A_61, %dma_start3A_62] : memref<10240x32xf32, #tpu.memory_space<hbm>> -> memref<10240x32xf32, #tpu.memory_space<hbm>>
    tpu.enqueue_indirect_dma source(%dma_start3A_63 : memref<10240x32xf32, #tpu.memory_space<hbm>>) target(%dma_start3A_58 : memref<128x32xf32, #tpu.memory_space<vmem>>) offsets(%dma_start3A_60 : memref<128xi32, #tpu.memory_space<vmem>>) semaphore(%arg11 : memref<!tpu.dma_semaphore, #tpu.memory_space<semaphore_mem>>)
    %while3A = arith.constant 0 : i32
    %while3A_64 = arith.constant 0 : i32
    %while3A_65 = arith.subi %select_n3A, %while3A : i32
    %while3A_66 = arith.addi %while3A, %while3A_65 : i32
    %while3A_67 = arith.constant 1 : i32
    %while3A_68 = arith.divsi %while3A_65, %while3A_67 : i32
    %while3A_69 = arith.muli %while3A_68, %while3A_67 : i32
    %while3A_70 = arith.addi %while3A, %while3A_69 : i32
    %while3A_71 = arith.constant 1 : i32
    %while3A_72 = scf.for %while3A_109 = %while3A to %while3A_70 step %while3A_71 iter_args(%while3A_110 = %while3A_64) -> (i32)  : i32 {
      %rem3A_111 = arith.constant 6 : i32
      %rem3A_112 = arith.remsi %while3A_109, %rem3A_111 : i32
      %add3A_113 = arith.constant 6 : i32
      %add3A_114 = arith.addi %while3A_109, %add3A_113 : i32
      %sub3A_115 = arith.constant 2 : i32
      %sub3A_116 = arith.subi %add3A_114, %sub3A_115 : i32
      %rem3A_117 = arith.constant 6 : i32
      %rem3A_118 = arith.remsi %sub3A_116, %rem3A_117 : i32
      %ge3A = arith.constant 2 : i32
      %ge3A_119 = arith.cmpi sge, %while3A_109, %ge3A : i32
      %convert_element_type3A_120 = arith.extui %ge3A_119 : i1 to i32
      %cond3A_121 = arith.constant 0 : i32
      %cond3A_122 = arith.cmpi ne, %convert_element_type3A_120, %cond3A_121 : i32
      scf.if %cond3A_122 {
        %sub3A_152 = arith.constant 2 : i32
        %sub3A_153 = arith.subi %while3A_109, %sub3A_152 : i32
        %mul3A_154 = arith.constant 128 : i32
        %mul3A_155 = arith.muli %sub3A_153, %mul3A_154 : i32
        %dma_wait3A_156 = arith.constant 0 : i32
        %dma_wait3A_157 = arith.constant 0 : i32
        %dma_wait3A_158 = tpu.memref_slice %arg8[%rem3A_118, %dma_wait3A_156, %dma_wait3A_157] : memref<6x128x32xf32, #tpu.memory_space<vmem>> -> memref<1x128x32xf32, #tpu.memory_space<vmem>>
        %dma_wait3A_159 = tpu.memref_squeeze %dma_wait3A_158 : memref<1x128x32xf32, #tpu.memory_space<vmem>> -> memref<128x32xf32, #tpu.memory_space<vmem>>
        %dma_wait3A_160 = tpu.memref_slice %arg7[%mul3A_155] : memref<10240xi32, #tpu.memory_space<vmem>> -> memref<128xi32, #tpu.memory_space<vmem>>
        %dma_wait3A_161 = arith.constant 0 : i32
        %dma_wait3A_162 = arith.constant 0 : i32
        %dma_wait3A_163 = tpu.memref_slice %arg10[%dma_wait3A_161, %dma_wait3A_162] : memref<10240x32xf32, #tpu.memory_space<vmem_shared>> -> memref<10240x32xf32, #tpu.memory_space<vmem_shared>>
        tpu.wait_indirect_dma semaphore(%arg12 : memref<!tpu.dma_semaphore, #tpu.memory_space<semaphore_mem>>) src(%dma_wait3A_159 : memref<128x32xf32, #tpu.memory_space<vmem>>) dst(%dma_wait3A_163 : memref<10240x32xf32, #tpu.memory_space<vmem_shared>>)
      } else {
      }
      %add3A_123 = arith.constant 6 : i32
      %add3A_124 = arith.addi %while3A_109, %add3A_123 : i32
      %sub3A_125 = arith.constant 2 : i32
      %sub3A_126 = arith.subi %add3A_124, %sub3A_125 : i32
      %lt3A_127 = arith.cmpi slt, %sub3A_126, %select_n3A : i32
      %convert_element_type3A_128 = arith.extui %lt3A_127 : i1 to i32
      %cond3A_129 = arith.constant 0 : i32
      %cond3A_130 = arith.cmpi ne, %convert_element_type3A_128, %cond3A_129 : i32
      scf.if %cond3A_130 {
        %add3A_152 = arith.constant 6 : i32
        %add3A_153 = arith.addi %while3A_109, %add3A_152 : i32
        %sub3A_154 = arith.constant 2 : i32
        %sub3A_155 = arith.subi %add3A_153, %sub3A_154 : i32
        %mul3A_156 = arith.constant 128 : i32
        %mul3A_157 = arith.muli %sub3A_155, %mul3A_156 : i32
        %dma_start3A_158 = arith.constant 0 : i32
        %dma_start3A_159 = arith.constant 0 : i32
        %dma_start3A_160 = tpu.memref_slice %arg8[%rem3A_118, %dma_start3A_158, %dma_start3A_159] : memref<6x128x32xf32, #tpu.memory_space<vmem>> -> memref<1x128x32xf32, #tpu.memory_space<vmem>>
        %dma_start3A_161 = tpu.memref_squeeze %dma_start3A_160 : memref<1x128x32xf32, #tpu.memory_space<vmem>> -> memref<128x32xf32, #tpu.memory_space<vmem>>
        %dma_start3A_162 = tpu.memref_slice %arg6[%mul3A_157] : memref<10240xi32, #tpu.memory_space<vmem>> -> memref<128xi32, #tpu.memory_space<vmem>>
        %dma_start3A_163 = arith.constant 0 : i32
        %dma_start3A_164 = arith.constant 0 : i32
        %dma_start3A_165 = tpu.memref_slice %arg2[%dma_start3A_163, %dma_start3A_164] : memref<10240x32xf32, #tpu.memory_space<hbm>> -> memref<10240x32xf32, #tpu.memory_space<hbm>>
        tpu.enqueue_indirect_dma source(%dma_start3A_165 : memref<10240x32xf32, #tpu.memory_space<hbm>>) target(%dma_start3A_161 : memref<128x32xf32, #tpu.memory_space<vmem>>) offsets(%dma_start3A_162 : memref<128xi32, #tpu.memory_space<vmem>>) semaphore(%arg11 : memref<!tpu.dma_semaphore, #tpu.memory_space<semaphore_mem>>)
      } else {
      }
      %mul3A_131 = arith.constant 128 : i32
      %mul3A_132 = arith.muli %while3A_109, %mul3A_131 : i32
      %dma_wait3A_133 = arith.constant 0 : i32
      %dma_wait3A_134 = arith.constant 0 : i32
      %dma_wait3A_135 = tpu.memref_slice %arg8[%rem3A_112, %dma_wait3A_133, %dma_wait3A_134] : memref<6x128x32xf32, #tpu.memory_space<vmem>> -> memref<1x128x32xf32, #tpu.memory_space<vmem>>
      %dma_wait3A_136 = tpu.memref_squeeze %dma_wait3A_135 : memref<1x128x32xf32, #tpu.memory_space<vmem>> -> memref<128x32xf32, #tpu.memory_space<vmem>>
      %dma_wait3A_137 = tpu.memref_slice %arg6[%mul3A_132] : memref<10240xi32, #tpu.memory_space<vmem>> -> memref<128xi32, #tpu.memory_space<vmem>>
      %dma_wait3A_138 = arith.constant 0 : i32
      %dma_wait3A_139 = arith.constant 0 : i32
      %dma_wait3A_140 = tpu.memref_slice %arg2[%dma_wait3A_138, %dma_wait3A_139] : memref<10240x32xf32, #tpu.memory_space<hbm>> -> memref<10240x32xf32, #tpu.memory_space<hbm>>
      tpu.wait_indirect_dma semaphore(%arg11 : memref<!tpu.dma_semaphore, #tpu.memory_space<semaphore_mem>>) src(%dma_wait3A_140 : memref<10240x32xf32, #tpu.memory_space<hbm>>) dst(%dma_wait3A_136 : memref<128x32xf32, #tpu.memory_space<vmem>>)
      %mul3A_141 = arith.constant 128 : i32
      %mul3A_142 = arith.muli %while3A_109, %mul3A_141 : i32
      %dma_start3A_143 = arith.constant 0 : i32
      %dma_start3A_144 = arith.constant 0 : i32
      %dma_start3A_145 = tpu.memref_slice %arg8[%rem3A_112, %dma_start3A_143, %dma_start3A_144] : memref<6x128x32xf32, #tpu.memory_space<vmem>> -> memref<1x128x32xf32, #tpu.memory_space<vmem>>
      %dma_start3A_146 = tpu.memref_squeeze %dma_start3A_145 : memref<1x128x32xf32, #tpu.memory_space<vmem>> -> memref<128x32xf32, #tpu.memory_space<vmem>>
      %dma_start3A_147 = tpu.memref_slice %arg7[%mul3A_142] : memref<10240xi32, #tpu.memory_space<vmem>> -> memref<128xi32, #tpu.memory_space<vmem>>
      %dma_start3A_148 = arith.constant 0 : i32
      %dma_start3A_149 = arith.constant 0 : i32
      %dma_start3A_150 = tpu.memref_slice %arg10[%dma_start3A_148, %dma_start3A_149] : memref<10240x32xf32, #tpu.memory_space<vmem_shared>> -> memref<10240x32xf32, #tpu.memory_space<vmem_shared>>
      tpu.enqueue_indirect_dma source(%dma_start3A_146 : memref<128x32xf32, #tpu.memory_space<vmem>>) target(%dma_start3A_150 : memref<10240x32xf32, #tpu.memory_space<vmem_shared>>) offsets(%dma_start3A_147 : memref<128xi32, #tpu.memory_space<vmem>>) semaphore(%arg12 : memref<!tpu.dma_semaphore, #tpu.memory_space<semaphore_mem>>) {add = true}
      %while3A_151 = arith.constant 0 : i32
      scf.yield %while3A_151 : i32
    }
    %while3A_73 = arith.constant 1 : i32
    %while3A_74 = scf.for %while3A_109 = %while3A_70 to %while3A_66 step %while3A_73 iter_args(%while3A_110 = %while3A_72) -> (i32)  : i32 {
      %rem3A_111 = arith.constant 6 : i32
      %rem3A_112 = arith.remsi %while3A_109, %rem3A_111 : i32
      %add3A_113 = arith.constant 6 : i32
      %add3A_114 = arith.addi %while3A_109, %add3A_113 : i32
      %sub3A_115 = arith.constant 2 : i32
      %sub3A_116 = arith.subi %add3A_114, %sub3A_115 : i32
      %rem3A_117 = arith.constant 6 : i32
      %rem3A_118 = arith.remsi %sub3A_116, %rem3A_117 : i32
      %ge3A = arith.constant 2 : i32
      %ge3A_119 = arith.cmpi sge, %while3A_109, %ge3A : i32
      %convert_element_type3A_120 = arith.extui %ge3A_119 : i1 to i32
      %cond3A_121 = arith.constant 0 : i32
      %cond3A_122 = arith.cmpi ne, %convert_element_type3A_120, %cond3A_121 : i32
      scf.if %cond3A_122 {
        %sub3A_152 = arith.constant 2 : i32
        %sub3A_153 = arith.subi %while3A_109, %sub3A_152 : i32
        %mul3A_154 = arith.constant 128 : i32
        %mul3A_155 = arith.muli %sub3A_153, %mul3A_154 : i32
        %dma_wait3A_156 = arith.constant 0 : i32
        %dma_wait3A_157 = arith.constant 0 : i32
        %dma_wait3A_158 = tpu.memref_slice %arg8[%rem3A_118, %dma_wait3A_156, %dma_wait3A_157] : memref<6x128x32xf32, #tpu.memory_space<vmem>> -> memref<1x128x32xf32, #tpu.memory_space<vmem>>
        %dma_wait3A_159 = tpu.memref_squeeze %dma_wait3A_158 : memref<1x128x32xf32, #tpu.memory_space<vmem>> -> memref<128x32xf32, #tpu.memory_space<vmem>>
        %dma_wait3A_160 = tpu.memref_slice %arg7[%mul3A_155] : memref<10240xi32, #tpu.memory_space<vmem>> -> memref<128xi32, #tpu.memory_space<vmem>>
        %dma_wait3A_161 = arith.constant 0 : i32
        %dma_wait3A_162 = arith.constant 0 : i32
        %dma_wait3A_163 = tpu.memref_slice %arg10[%dma_wait3A_161, %dma_wait3A_162] : memref<10240x32xf32, #tpu.memory_space<vmem_shared>> -> memref<10240x32xf32, #tpu.memory_space<vmem_shared>>
        tpu.wait_indirect_dma semaphore(%arg12 : memref<!tpu.dma_semaphore, #tpu.memory_space<semaphore_mem>>) src(%dma_wait3A_159 : memref<128x32xf32, #tpu.memory_space<vmem>>) dst(%dma_wait3A_163 : memref<10240x32xf32, #tpu.memory_space<vmem_shared>>)
      } else {
      }
      %add3A_123 = arith.constant 6 : i32
      %add3A_124 = arith.addi %while3A_109, %add3A_123 : i32
      %sub3A_125 = arith.constant 2 : i32
      %sub3A_126 = arith.subi %add3A_124, %sub3A_125 : i32
      %lt3A_127 = arith.cmpi slt, %sub3A_126, %select_n3A : i32
      %convert_element_type3A_128 = arith.extui %lt3A_127 : i1 to i32
      %cond3A_129 = arith.constant 0 : i32
      %cond3A_130 = arith.cmpi ne, %convert_element_type3A_128, %cond3A_129 : i32
      scf.if %cond3A_130 {
        %add3A_152 = arith.constant 6 : i32
        %add3A_153 = arith.addi %while3A_109, %add3A_152 : i32
        %sub3A_154 = arith.constant 2 : i32
        %sub3A_155 = arith.subi %add3A_153, %sub3A_154 : i32
        %mul3A_156 = arith.constant 128 : i32
        %mul3A_157 = arith.muli %sub3A_155, %mul3A_156 : i32
        %dma_start3A_158 = arith.constant 0 : i32
        %dma_start3A_159 = arith.constant 0 : i32
        %dma_start3A_160 = tpu.memref_slice %arg8[%rem3A_118, %dma_start3A_158, %dma_start3A_159] : memref<6x128x32xf32, #tpu.memory_space<vmem>> -> memref<1x128x32xf32, #tpu.memory_space<vmem>>
        %dma_start3A_161 = tpu.memref_squeeze %dma_start3A_160 : memref<1x128x32xf32, #tpu.memory_space<vmem>> -> memref<128x32xf32, #tpu.memory_space<vmem>>
        %dma_start3A_162 = tpu.memref_slice %arg6[%mul3A_157] : memref<10240xi32, #tpu.memory_space<vmem>> -> memref<128xi32, #tpu.memory_space<vmem>>
        %dma_start3A_163 = arith.constant 0 : i32
        %dma_start3A_164 = arith.constant 0 : i32
        %dma_start3A_165 = tpu.memref_slice %arg2[%dma_start3A_163, %dma_start3A_164] : memref<10240x32xf32, #tpu.memory_space<hbm>> -> memref<10240x32xf32, #tpu.memory_space<hbm>>
        tpu.enqueue_indirect_dma source(%dma_start3A_165 : memref<10240x32xf32, #tpu.memory_space<hbm>>) target(%dma_start3A_161 : memref<128x32xf32, #tpu.memory_space<vmem>>) offsets(%dma_start3A_162 : memref<128xi32, #tpu.memory_space<vmem>>) semaphore(%arg11 : memref<!tpu.dma_semaphore, #tpu.memory_space<semaphore_mem>>)
      } else {
      }
      %mul3A_131 = arith.constant 128 : i32
      %mul3A_132 = arith.muli %while3A_109, %mul3A_131 : i32
      %dma_wait3A_133 = arith.constant 0 : i32
      %dma_wait3A_134 = arith.constant 0 : i32
      %dma_wait3A_135 = tpu.memref_slice %arg8[%rem3A_112, %dma_wait3A_133, %dma_wait3A_134] : memref<6x128x32xf32, #tpu.memory_space<vmem>> -> memref<1x128x32xf32, #tpu.memory_space<vmem>>
      %dma_wait3A_136 = tpu.memref_squeeze %dma_wait3A_135 : memref<1x128x32xf32, #tpu.memory_space<vmem>> -> memref<128x32xf32, #tpu.memory_space<vmem>>
      %dma_wait3A_137 = tpu.memref_slice %arg6[%mul3A_132] : memref<10240xi32, #tpu.memory_space<vmem>> -> memref<128xi32, #tpu.memory_space<vmem>>
      %dma_wait3A_138 = arith.constant 0 : i32
      %dma_wait3A_139 = arith.constant 0 : i32
      %dma_wait3A_140 = tpu.memref_slice %arg2[%dma_wait3A_138, %dma_wait3A_139] : memref<10240x32xf32, #tpu.memory_space<hbm>> -> memref<10240x32xf32, #tpu.memory_space<hbm>>
      tpu.wait_indirect_dma semaphore(%arg11 : memref<!tpu.dma_semaphore, #tpu.memory_space<semaphore_mem>>) src(%dma_wait3A_140 : memref<10240x32xf32, #tpu.memory_space<hbm>>) dst(%dma_wait3A_136 : memref<128x32xf32, #tpu.memory_space<vmem>>)
      %mul3A_141 = arith.constant 128 : i32
      %mul3A_142 = arith.muli %while3A_109, %mul3A_141 : i32
      %dma_start3A_143 = arith.constant 0 : i32
      %dma_start3A_144 = arith.constant 0 : i32
      %dma_start3A_145 = tpu.memref_slice %arg8[%rem3A_112, %dma_start3A_143, %dma_start3A_144] : memref<6x128x32xf32, #tpu.memory_space<vmem>> -> memref<1x128x32xf32, #tpu.memory_space<vmem>>
      %dma_start3A_146 = tpu.memref_squeeze %dma_start3A_145 : memref<1x128x32xf32, #tpu.memory_space<vmem>> -> memref<128x32xf32, #tpu.memory_space<vmem>>
      %dma_start3A_147 = tpu.memref_slice %arg7[%mul3A_142] : memref<10240xi32, #tpu.memory_space<vmem>> -> memref<128xi32, #tpu.memory_space<vmem>>
      %dma_start3A_148 = arith.constant 0 : i32
      %dma_start3A_149 = arith.constant 0 : i32
      %dma_start3A_150 = tpu.memref_slice %arg10[%dma_start3A_148, %dma_start3A_149] : memref<10240x32xf32, #tpu.memory_space<vmem_shared>> -> memref<10240x32xf32, #tpu.memory_space<vmem_shared>>
      tpu.enqueue_indirect_dma source(%dma_start3A_146 : memref<128x32xf32, #tpu.memory_space<vmem>>) target(%dma_start3A_150 : memref<10240x32xf32, #tpu.memory_space<vmem_shared>>) offsets(%dma_start3A_147 : memref<128xi32, #tpu.memory_space<vmem>>) semaphore(%arg12 : memref<!tpu.dma_semaphore, #tpu.memory_space<semaphore_mem>>) {add = true}
      %while3A_151 = arith.constant 0 : i32
      scf.yield %while3A_151 : i32
    }
    %sub3A = arith.constant 2 : i32
    %sub3A_75 = arith.subi %select_n3A, %sub3A : i32
    %rem3A = arith.constant 6 : i32
    %rem3A_76 = arith.remsi %sub3A_75, %rem3A : i32
    %sub3A_77 = arith.constant 2 : i32
    %sub3A_78 = arith.subi %select_n3A, %sub3A_77 : i32
    %mul3A_79 = arith.constant 128 : i32
    %mul3A_80 = arith.muli %sub3A_78, %mul3A_79 : i32
    %dma_wait3A = arith.constant 0 : i32
    %dma_wait3A_81 = arith.constant 0 : i32
    %dma_wait3A_82 = tpu.memref_slice %arg8[%rem3A_76, %dma_wait3A, %dma_wait3A_81] : memref<6x128x32xf32, #tpu.memory_space<vmem>> -> memref<1x128x32xf32, #tpu.memory_space<vmem>>
    %dma_wait3A_83 = tpu.memref_squeeze %dma_wait3A_82 : memref<1x128x32xf32, #tpu.memory_space<vmem>> -> memref<128x32xf32, #tpu.memory_space<vmem>>
    %dma_wait3A_84 = tpu.memref_slice %arg7[%mul3A_80] : memref<10240xi32, #tpu.memory_space<vmem>> -> memref<128xi32, #tpu.memory_space<vmem>>
    %dma_wait3A_85 = arith.constant 0 : i32
    %dma_wait3A_86 = arith.constant 0 : i32
    %dma_wait3A_87 = tpu.memref_slice %arg10[%dma_wait3A_85, %dma_wait3A_86] : memref<10240x32xf32, #tpu.memory_space<vmem_shared>> -> memref<10240x32xf32, #tpu.memory_space<vmem_shared>>
    tpu.wait_indirect_dma semaphore(%arg12 : memref<!tpu.dma_semaphore, #tpu.memory_space<semaphore_mem>>) src(%dma_wait3A_83 : memref<128x32xf32, #tpu.memory_space<vmem>>) dst(%dma_wait3A_87 : memref<10240x32xf32, #tpu.memory_space<vmem_shared>>)
    %sub3A_88 = arith.constant 1 : i32
    %sub3A_89 = arith.subi %select_n3A, %sub3A_88 : i32
    %rem3A_90 = arith.constant 6 : i32
    %rem3A_91 = arith.remsi %sub3A_89, %rem3A_90 : i32
    %sub3A_92 = arith.constant 1 : i32
    %sub3A_93 = arith.subi %select_n3A, %sub3A_92 : i32
    %mul3A_94 = arith.constant 128 : i32
    %mul3A_95 = arith.muli %sub3A_93, %mul3A_94 : i32
    %dma_wait3A_96 = arith.constant 0 : i32
    %dma_wait3A_97 = arith.constant 0 : i32
    %dma_wait3A_98 = tpu.memref_slice %arg8[%rem3A_91, %dma_wait3A_96, %dma_wait3A_97] : memref<6x128x32xf32, #tpu.memory_space<vmem>> -> memref<1x128x32xf32, #tpu.memory_space<vmem>>
    %dma_wait3A_99 = tpu.memref_squeeze %dma_wait3A_98 : memref<1x128x32xf32, #tpu.memory_space<vmem>> -> memref<128x32xf32, #tpu.memory_space<vmem>>
    %dma_wait3A_100 = tpu.memref_slice %arg7[%mul3A_95] : memref<10240xi32, #tpu.memory_space<vmem>> -> memref<128xi32, #tpu.memory_space<vmem>>
    %dma_wait3A_101 = arith.constant 0 : i32
    %dma_wait3A_102 = arith.constant 0 : i32
    %dma_wait3A_103 = tpu.memref_slice %arg10[%dma_wait3A_101, %dma_wait3A_102] : memref<10240x32xf32, #tpu.memory_space<vmem_shared>> -> memref<10240x32xf32, #tpu.memory_space<vmem_shared>>
    tpu.wait_indirect_dma semaphore(%arg12 : memref<!tpu.dma_semaphore, #tpu.memory_space<semaphore_mem>>) src(%dma_wait3A_99 : memref<128x32xf32, #tpu.memory_space<vmem>>) dst(%dma_wait3A_103 : memref<10240x32xf32, #tpu.memory_space<vmem_shared>>)
    %barrier3A_104 = arith.constant 0 : index
    tpu.barrier barrier_id(%barrier3A_104)
    %mul3A_105 = arith.constant 640 : i32
    %mul3A_106 = arith.muli %arg1, %mul3A_105 : i32
    %mul3A_107 = arith.constant 640 : i32
    %mul3A_108 = arith.muli %arg1, %mul3A_107 : i32
    "tpu.region"() ({
      %run_scoped3A = tpu.sem_alloc : memref<!tpu.dma_semaphore, #tpu.memory_space<semaphore_mem>>
      %dma_start3A_109 = arith.constant 0 : i32
      %dma_start3A_110 = tpu.memref_slice %arg5[%arg0, %mul3A_108, %dma_start3A_109] : memref<2x10240x32xf32, #tpu.memory_space<hbm>> -> memref<1x640x32xf32, #tpu.memory_space<hbm>>
      %dma_start3A_111 = tpu.memref_squeeze %dma_start3A_110 : memref<1x640x32xf32, #tpu.memory_space<hbm>> -> memref<640x32xf32, #tpu.memory_space<hbm>>
      %dma_start3A_112 = arith.constant 0 : i32
      %dma_start3A_113 = tpu.memref_slice %arg10[%mul3A_106, %dma_start3A_112] : memref<10240x32xf32, #tpu.memory_space<vmem_shared>> -> memref<640x32xf32, #tpu.memory_space<vmem_shared>>
      tpu.enqueue_dma source(%dma_start3A_113 : memref<640x32xf32, #tpu.memory_space<vmem_shared>>) target(%dma_start3A_111 : memref<640x32xf32, #tpu.memory_space<hbm>>) target_semaphore(%run_scoped3A : memref<!tpu.dma_semaphore, #tpu.memory_space<semaphore_mem>>)
      %dma_wait3A_114 = arith.constant 0 : i32
      %dma_wait3A_115 = tpu.memref_slice %arg5[%arg0, %mul3A_108, %dma_wait3A_114] : memref<2x10240x32xf32, #tpu.memory_space<hbm>> -> memref<1x640x32xf32, #tpu.memory_space<hbm>>
      %dma_wait3A_116 = tpu.memref_squeeze %dma_wait3A_115 : memref<1x640x32xf32, #tpu.memory_space<hbm>> -> memref<640x32xf32, #tpu.memory_space<hbm>>
      %dma_wait3A_117 = arith.constant 0 : i32
      %dma_wait3A_118 = tpu.memref_slice %arg10[%mul3A_106, %dma_wait3A_117] : memref<10240x32xf32, #tpu.memory_space<vmem_shared>> -> memref<640x32xf32, #tpu.memory_space<vmem_shared>>
      tpu.wait_dma2 semaphore(%run_scoped3A : memref<!tpu.dma_semaphore, #tpu.memory_space<semaphore_mem>>) src(%dma_wait3A_118 : memref<640x32xf32, #tpu.memory_space<vmem_shared>>) dst(%dma_wait3A_116 : memref<640x32xf32, #tpu.memory_space<hbm>>)
      tpu.yield
    }) : () -> ()
    return
  }
}

module attributes {stable_mosaic.version = 14 : i64} {
  func.func @_mm_body(%arg0: memref<2500x512xf32, #tpu.memory_space<vmem>>, %arg1: memref<512x128xf32, #tpu.memory_space<vmem>>, %arg2: memref<2500x128xf32, #tpu.memory_space<vmem>>) attributes {dimension_semantics = [], scalar_prefetch = 0 : i64, scratch_operands = 0 : i64, tpu.core_type = #tpu.core_type<tc>} {
    %get3A = arith.constant 0 : index
    %get3A_0 = arith.constant 0 : index
    %get3A_1 = vector.load %arg0[%get3A, %get3A_0] : memref<2500x512xf32, #tpu.memory_space<vmem>>, vector<2500x512xf32>
    %get3A_2 = arith.constant 0 : index
    %get3A_3 = arith.constant 0 : index
    %get3A_4 = vector.load %arg1[%get3A_2, %get3A_3] : memref<512x128xf32, #tpu.memory_space<vmem>>, vector<512x128xf32>
    %dot_general3A = arith.constant dense<0.000000e+00> : vector<2500x128xf32>
    %dot_general3A_5 = tpu.matmul %get3A_1, %get3A_4, %dot_general3A {dimension_numbers = #tpu.dot_dimension_numbers<[1], [0], [0], [1], [0, 0, 1, 1], [], []>, transpose_lhs_hint = false} : vector<2500x512xf32>, vector<512x128xf32>, vector<2500x128xf32> -> vector<2500x128xf32>
    %swap3A = arith.constant 0 : index
    %swap3A_6 = arith.constant 0 : index
    %swap3A_7 = vector.load %arg2[%swap3A, %swap3A_6] : memref<2500x128xf32, #tpu.memory_space<vmem>>, vector<2500x128xf32>
    tpu.vector_store %arg2[%swap3A, %swap3A_6], %dot_general3A_5 {strides = array<i32>} : memref<2500x128xf32, #tpu.memory_space<vmem>>, vector<2500x128xf32>,
    return
  }
}

module attributes {stable_mosaic.version = 14 : i64} {
  func.func @_enc_body(%arg0: memref<2x2560x128xf32, #tpu.memory_space<vmem>>, %arg1: memref<2500x128xf32, #tpu.memory_space<vmem>>, %arg2: memref<2560x128xf32, #tpu.memory_space<vmem>>, %arg3: memref<2560x128xf32, #tpu.memory_space<vmem>>) attributes {dimension_semantics = [], scalar_prefetch = 0 : i64, scratch_operands = 0 : i64, tpu.core_type = #tpu.core_type<tc>} {
    %get3A = arith.constant 0 : index
    %get3A_0 = arith.constant 0 : index
    %get3A_1 = arith.constant 0 : index
    %get3A_2 = vector.load %arg0[%get3A, %get3A_0, %get3A_1] : memref<2x2560x128xf32, #tpu.memory_space<vmem>>, vector<1x2560x128xf32>
    %get3A_3 = vector.shape_cast %get3A_2 : vector<1x2560x128xf32> to vector<2560x128xf32>
    %get3A_4 = arith.constant 1 : index
    %get3A_5 = arith.constant 0 : index
    %get3A_6 = arith.constant 0 : index
    %get3A_7 = vector.load %arg0[%get3A_4, %get3A_5, %get3A_6] : memref<2x2560x128xf32, #tpu.memory_space<vmem>>, vector<1x2560x128xf32>
    %get3A_8 = vector.shape_cast %get3A_7 : vector<1x2560x128xf32> to vector<2560x128xf32>
    %add3A = arith.addf %get3A_3, %get3A_8 : vector<2560x128xf32>
    %add3A_9 = arith.constant 1.000000e+00 : f32
    %add3A_10 = vector.broadcast %add3A_9 : f32 to vector<2560x128xf32>
    %add3A_11 = arith.addf %add3A, %add3A_10 : vector<2560x128xf32>
    %max3A = arith.constant 1.000000e+00 : f32
    %max3A_12 = vector.broadcast %max3A : f32 to vector<2560x128xf32>
    %max3A_13 = arith.maximumf %add3A_11, %max3A_12 : vector<2560x128xf32>
    %rsqrt3A = math.rsqrt %max3A_13 : vector<2560x128xf32>
    %get3A_14 = arith.constant 0 : index
    %get3A_15 = arith.constant 0 : index
    %get3A_16 = vector.load %arg1[%get3A_14, %get3A_15] : memref<2500x128xf32, #tpu.memory_space<vmem>>, vector<2500x128xf32>
    %slice3A = vector.extract_strided_slice %rsqrt3A {offsets = [0, 0], sizes = [2500, 128], strides = [1, 1]} : vector<2560x128xf32> to vector<2500x128xf32>
    %mul3A = arith.mulf %get3A_16, %slice3A : vector<2500x128xf32>
    %swap3A = arith.constant 0 : index
    %swap3A_17 = arith.constant 0 : index
    %swap3A_18 = vector.load %arg2[%swap3A, %swap3A_17] : memref<2560x128xf32, #tpu.memory_space<vmem>>, vector<2500x128xf32>
    tpu.vector_store %arg2[%swap3A, %swap3A_17], %mul3A {strides = array<i32>} : memref<2560x128xf32, #tpu.memory_space<vmem>>, vector<2500x128xf32>,
    %swap3A_19 = arith.constant 0 : index
    %swap3A_20 = arith.constant 0 : index
    %swap3A_21 = vector.load %arg3[%swap3A_19, %swap3A_20] : memref<2560x128xf32, #tpu.memory_space<vmem>>, vector<2560x128xf32>
    tpu.vector_store %arg3[%swap3A_19, %swap3A_20], %rsqrt3A {strides = array<i32>} : memref<2560x128xf32, #tpu.memory_space<vmem>>, vector<2560x128xf32>,
    return
  }
}

module attributes {stable_mosaic.version = 14 : i64} {
  func.func @_mid_body(%arg0: i32, %arg1: memref<2x320x128xf32, #tpu.memory_space<vmem>>, %arg2: memref<320x128xf32, #tpu.memory_space<vmem>>, %arg3: memref<320x128xf32, #tpu.memory_space<vmem>>, %arg4: memref<1x128xf32, #tpu.memory_space<vmem>>, %arg5: memref<320x128xf32, #tpu.memory_space<vmem>>) attributes {dimension_semantics = [#tpu.dimension_semantics<arbitrary>], iteration_bounds = array<i64: 8>, scalar_prefetch = 0 : i64, scratch_operands = 0 : i64, tpu.core_type = #tpu.core_type<tc>, window_params = [{transform_indices = @transform_0, window_bounds = array<i64: 2, 320, 128>}, {transform_indices = @transform_1, window_bounds = array<i64: 320, 128>}, {transform_indices = @transform_2, window_bounds = array<i64: 320, 128>}, {pipeline_mode = #tpu.pipeline_mode<synchronous>, transform_indices = @transform_3, window_bounds = array<i64: 1, 128>}, {transform_indices = @transform_4, window_bounds = array<i64: 320, 128>}]} {
    %get3A = arith.constant 0 : index
    %get3A_0 = arith.constant 0 : index
    %get3A_1 = arith.constant 0 : index
    %get3A_2 = vector.load %arg1[%get3A, %get3A_0, %get3A_1] : memref<2x320x128xf32, #tpu.memory_space<vmem>>, vector<1x320x128xf32>
    %get3A_3 = vector.shape_cast %get3A_2 : vector<1x320x128xf32> to vector<320x128xf32>
    %get3A_4 = arith.constant 1 : index
    %get3A_5 = arith.constant 0 : index
    %get3A_6 = arith.constant 0 : index
    %get3A_7 = vector.load %arg1[%get3A_4, %get3A_5, %get3A_6] : memref<2x320x128xf32, #tpu.memory_space<vmem>>, vector<1x320x128xf32>
    %get3A_8 = vector.shape_cast %get3A_7 : vector<1x320x128xf32> to vector<320x128xf32>
    %add3A = arith.addf %get3A_3, %get3A_8 : vector<320x128xf32>
    %get3A_9 = arith.constant 0 : index
    %get3A_10 = arith.constant 0 : index
    %get3A_11 = vector.load %arg2[%get3A_9, %get3A_10] : memref<320x128xf32, #tpu.memory_space<vmem>>, vector<320x128xf32>
    %add3A_12 = arith.addf %add3A, %get3A_11 : vector<320x128xf32>
    %get3A_13 = arith.constant 0 : index
    %get3A_14 = arith.constant 0 : index
    %get3A_15 = vector.load %arg3[%get3A_13, %get3A_14] : memref<320x128xf32, #tpu.memory_space<vmem>>, vector<320x128xf32>
    %mul3A = arith.mulf %get3A_15, %add3A_12 : vector<320x128xf32>
    %get3A_16 = arith.constant 0 : index
    %get3A_17 = arith.constant 0 : index
    %get3A_18 = vector.load %arg4[%get3A_16, %get3A_17] : memref<1x128xf32, #tpu.memory_space<vmem>>, vector<1x128xf32>
    %add3A_19 = vector.broadcast %get3A_18 : vector<1x128xf32> to vector<320x128xf32>
    %add3A_20 = arith.addf %mul3A, %add3A_19 : vector<320x128xf32>
    %max3A = arith.constant 0.000000e+00 : f32
    %max3A_21 = vector.broadcast %max3A : f32 to vector<320x128xf32>
    %max3A_22 = arith.maximumf %add3A_20, %max3A_21 : vector<320x128xf32>
    %mul3A_23 = arith.mulf %max3A_22, %get3A_15 : vector<320x128xf32>
    %swap3A = arith.constant 0 : index
    %swap3A_24 = arith.constant 0 : index
    %swap3A_25 = vector.load %arg5[%swap3A, %swap3A_24] : memref<320x128xf32, #tpu.memory_space<vmem>>, vector<320x128xf32>
    tpu.vector_store %arg5[%swap3A, %swap3A_24], %mul3A_23 {strides = array<i32>} : memref<320x128xf32, #tpu.memory_space<vmem>>, vector<320x128xf32>,
    return
  }
  func.func @transform_0(%arg0: i32) -> (i32, i32, i32) {
    %c0_i32 = arith.constant 0 : i32
    %c0_i32_0 = arith.constant 0 : i32
    %c0_i32_1 = arith.constant 0 : i32
    return %c0_i32, %arg0, %c0_i32_0 : i32, i32, i32
  }
  func.func @transform_1(%arg0: i32) -> (i32, i32) {
    %c0_i32 = arith.constant 0 : i32
    %c0_i32_0 = arith.constant 0 : i32
    return %arg0, %c0_i32 : i32, i32
  }
  func.func @transform_2(%arg0: i32) -> (i32, i32) {
    %c0_i32 = arith.constant 0 : i32
    %c0_i32_0 = arith.constant 0 : i32
    return %arg0, %c0_i32 : i32, i32
  }
  func.func @transform_3(%arg0: i32) -> (i32, i32) {
    %c0_i32 = arith.constant 0 : i32
    %c0_i32_0 = arith.constant 0 : i32
    %c0_i32_1 = arith.constant 0 : i32
    return %c0_i32, %c0_i32_0 : i32, i32
  }
  func.func @transform_4(%arg0: i32) -> (i32, i32) {
    %c0_i32 = arith.constant 0 : i32
    %c0_i32_0 = arith.constant 0 : i32
    return %arg0, %c0_i32 : i32, i32
  }
}

module attributes {stable_mosaic.version = 14 : i64} {
  func.func @_dec_body(%arg0: i32, %arg1: memref<2x256x256xf32, #tpu.memory_space<vmem>>, %arg2: memref<256x256xf32, #tpu.memory_space<vmem>>, %arg3: memref<256x256xf32, #tpu.memory_space<vmem>>, %arg4: memref<256x128xf32, #tpu.memory_space<vmem>>, %arg5: memref<1x128xf32, #tpu.memory_space<vmem>>, %arg6: memref<256x128xf32, #tpu.memory_space<vmem>>, %arg7: memref<1x128xf32, #tpu.memory_space<vmem>>, %arg8: memref<256x128xf32, #tpu.memory_space<vmem>>, %arg9: memref<256x128xf32, #tpu.memory_space<vmem>>) attributes {dimension_semantics = [#tpu.dimension_semantics<arbitrary>], iteration_bounds = array<i64: 5>, scalar_prefetch = 0 : i64, scratch_operands = 0 : i64, tpu.core_type = #tpu.core_type<tc>, window_params = [{transform_indices = @transform_0, window_bounds = array<i64: 2, 256, 256>}, {transform_indices = @transform_1, window_bounds = array<i64: 256, 256>}, {transform_indices = @transform_2, window_bounds = array<i64: 256, 256>}, {pipeline_mode = #tpu.pipeline_mode<synchronous>, transform_indices = @transform_3, window_bounds = array<i64: 256, 128>}, {pipeline_mode = #tpu.pipeline_mode<synchronous>, transform_indices = @transform_4, window_bounds = array<i64: 1, 128>}, {pipeline_mode = #tpu.pipeline_mode<synchronous>, transform_indices = @transform_5, window_bounds = array<i64: 256, 128>}, {pipeline_mode = #tpu.pipeline_mode<synchronous>, transform_indices = @transform_6, window_bounds = array<i64: 1, 128>}, {transform_indices = @transform_7, window_bounds = array<i64: 256, 128>}, {transform_indices = @transform_8, window_bounds = array<i64: 256, 128>}]} {
    %get3A = arith.constant 0 : index
    %get3A_0 = arith.constant 0 : index
    %get3A_1 = vector.load %arg3[%get3A, %get3A_0] : memref<256x256xf32, #tpu.memory_space<vmem>>, vector<256x256xf32>
    %get3A_2 = arith.constant 0 : index
    %get3A_3 = arith.constant 0 : index
    %get3A_4 = arith.constant 0 : index
    %get3A_5 = vector.load %arg1[%get3A_2, %get3A_3, %get3A_4] : memref<2x256x256xf32, #tpu.memory_space<vmem>>, vector<1x256x256xf32>
    %get3A_6 = vector.shape_cast %get3A_5 : vector<1x256x256xf32> to vector<256x256xf32>
    %get3A_7 = arith.constant 1 : index
    %get3A_8 = arith.constant 0 : index
    %get3A_9 = arith.constant 0 : index
    %get3A_10 = vector.load %arg1[%get3A_7, %get3A_8, %get3A_9] : memref<2x256x256xf32, #tpu.memory_space<vmem>>, vector<1x256x256xf32>
    %get3A_11 = vector.shape_cast %get3A_10 : vector<1x256x256xf32> to vector<256x256xf32>
    %add3A = arith.addf %get3A_6, %get3A_11 : vector<256x256xf32>
    %get3A_12 = arith.constant 0 : index
    %get3A_13 = arith.constant 0 : index
    %get3A_14 = vector.load %arg2[%get3A_12, %get3A_13] : memref<256x256xf32, #tpu.memory_space<vmem>>, vector<256x256xf32>
    %add3A_15 = arith.addf %add3A, %get3A_14 : vector<256x256xf32>
    %mul3A = arith.mulf %get3A_1, %add3A_15 : vector<256x256xf32>
    %get3A_16 = arith.constant 0 : index
    %get3A_17 = arith.constant 0 : index
    %get3A_18 = vector.load %arg4[%get3A_16, %get3A_17] : memref<256x128xf32, #tpu.memory_space<vmem>>, vector<256x128xf32>
    %dot_general3A = arith.constant dense<0.000000e+00> : vector<256x128xf32>
    %dot_general3A_19 = tpu.matmul %mul3A, %get3A_18, %dot_general3A {dimension_numbers = #tpu.dot_dimension_numbers<[1], [0], [0], [1], [0, 0, 1, 1], [], []>, transpose_lhs_hint = false} : vector<256x256xf32>, vector<256x128xf32>, vector<256x128xf32> -> vector<256x128xf32>
    %get3A_20 = arith.constant 0 : index
    %get3A_21 = arith.constant 0 : index
    %get3A_22 = vector.load %arg5[%get3A_20, %get3A_21] : memref<1x128xf32, #tpu.memory_space<vmem>>, vector<1x128xf32>
    %add3A_23 = vector.broadcast %get3A_22 : vector<1x128xf32> to vector<256x128xf32>
    %add3A_24 = arith.addf %dot_general3A_19, %add3A_23 : vector<256x128xf32>
    %get3A_25 = arith.constant 0 : index
    %get3A_26 = arith.constant 0 : index
    %get3A_27 = vector.load %arg6[%get3A_25, %get3A_26] : memref<256x128xf32, #tpu.memory_space<vmem>>, vector<256x128xf32>
    %dot_general3A_28 = arith.constant dense<0.000000e+00> : vector<256x128xf32>
    %dot_general3A_29 = tpu.matmul %mul3A, %get3A_27, %dot_general3A_28 {dimension_numbers = #tpu.dot_dimension_numbers<[1], [0], [0], [1], [0, 0, 1, 1], [], []>, transpose_lhs_hint = false} : vector<256x256xf32>, vector<256x128xf32>, vector<256x128xf32> -> vector<256x128xf32>
    %get3A_30 = arith.constant 0 : index
    %get3A_31 = arith.constant 0 : index
    %get3A_32 = vector.load %arg7[%get3A_30, %get3A_31] : memref<1x128xf32, #tpu.memory_space<vmem>>, vector<1x128xf32>
    %add3A_33 = vector.broadcast %get3A_32 : vector<1x128xf32> to vector<256x128xf32>
    %add3A_34 = arith.addf %dot_general3A_29, %add3A_33 : vector<256x128xf32>
    %get3A_35 = arith.constant 0 : index
    %get3A_36 = arith.constant 0 : index
    %get3A_37 = vector.load %arg8[%get3A_35, %get3A_36] : memref<256x128xf32, #tpu.memory_space<vmem>>, vector<256x128xf32>
    %exp3A = math.exp %add3A_34 : vector<256x128xf32>
    %mul3A_38 = arith.mulf %get3A_37, %exp3A : vector<256x128xf32>
    %add3A_39 = arith.addf %add3A_24, %mul3A_38 : vector<256x128xf32>
    %swap3A = arith.constant 0 : index
    %swap3A_40 = arith.constant 0 : index
    %swap3A_41 = vector.load %arg9[%swap3A, %swap3A_40] : memref<256x128xf32, #tpu.memory_space<vmem>>, vector<256x128xf32>
    tpu.vector_store %arg9[%swap3A, %swap3A_40], %add3A_39 {strides = array<i32>} : memref<256x128xf32, #tpu.memory_space<vmem>>, vector<256x128xf32>,
    return
  }
  func.func @transform_0(%arg0: i32) -> (i32, i32, i32) {
    %c0_i32 = arith.constant 0 : i32
    %c0_i32_0 = arith.constant 0 : i32
    %c0_i32_1 = arith.constant 0 : i32
    return %c0_i32, %arg0, %c0_i32_0 : i32, i32, i32
  }
  func.func @transform_1(%arg0: i32) -> (i32, i32) {
    %c0_i32 = arith.constant 0 : i32
    %c0_i32_0 = arith.constant 0 : i32
    return %arg0, %c0_i32 : i32, i32
  }
  func.func @transform_2(%arg0: i32) -> (i32, i32) {
    %c0_i32 = arith.constant 0 : i32
    %c0_i32_0 = arith.constant 0 : i32
    return %arg0, %c0_i32 : i32, i32
  }
  func.func @transform_3(%arg0: i32) -> (i32, i32) {
    %c0_i32 = arith.constant 0 : i32
    %c0_i32_0 = arith.constant 0 : i32
    %c0_i32_1 = arith.constant 0 : i32
    return %c0_i32, %c0_i32_0 : i32, i32
  }
  func.func @transform_4(%arg0: i32) -> (i32, i32) {
    %c0_i32 = arith.constant 0 : i32
    %c0_i32_0 = arith.constant 0 : i32
    %c0_i32_1 = arith.constant 0 : i32
    return %c0_i32, %c0_i32_0 : i32, i32
  }
  func.func @transform_5(%arg0: i32) -> (i32, i32) {
    %c0_i32 = arith.constant 0 : i32
    %c0_i32_0 = arith.constant 0 : i32
    %c0_i32_1 = arith.constant 0 : i32
    return %c0_i32, %c0_i32_0 : i32, i32
  }
  func.func @transform_6(%arg0: i32) -> (i32, i32) {
    %c0_i32 = arith.constant 0 : i32
    %c0_i32_0 = arith.constant 0 : i32
    %c0_i32_1 = arith.constant 0 : i32
    return %c0_i32, %c0_i32_0 : i32, i32
  }
  func.func @transform_7(%arg0: i32) -> (i32, i32) {
    %c0_i32 = arith.constant 0 : i32
    %c0_i32_0 = arith.constant 0 : i32
    return %arg0, %c0_i32 : i32, i32
  }
  func.func @transform_8(%arg0: i32) -> (i32, i32) {
    %c0_i32 = arith.constant 0 : i32
    %c0_i32_0 = arith.constant 0 : i32
    return %arg0, %c0_i32 : i32, i32
  }
}

</mosaic_0001>

<sc_bundles>
// kernel: kernel.12.cloned.1.call-start
scs
__scs_entry_jumppad:
0x0: {  	(pc) =	sbr.rel $0x88, $3  }
0x1: {  	(tag) =	ssettag $0x0;
	lr =	simm.s32 $0x1  }
0x2: {  	[smem:$0x3F98] =	sst lr;
	_ =	strace $0xD0000000  }
0x3: {  	_ = 	snop  }
0x4: {  	_ = 	snop  }
0x5: {  	_ = 	snop  }
0x6: {  	_ = 	snop  }
0x7: {  	_ = 	snop  }
__scs_overlays_trampoline_lowered:
0x8: {  	[smem:$0x3FA7] =	sst s0  }
0x9: {  	[smem:$0x3FA8] =	sst s1  }
0xa: {  	[smem:$0x3FA9] =	sst s2  }
0xb: {  	[smem:$0x3FAA] =	sst s3  }
0xc: {  	[smem:$0x3FAB] =	sst s4  }
0xd: {  	[smem:$0x3FAC] =	sst s5  }
0xe: {  	[smem:$0x3FAD] =	sst s6  }
0xf: {  	[smem:$0x3FAE] =	sst s7  }
0x10: {  	[smem:$0x3FAF] =	sst s8  }
0x11: {  	[smem:$0x3FB0] =	sst s9;
	s0 =	simm.s32 @!p0 $0x0  }
0x12: {  	s1 =	sld [smem:$0x3F96];
	s0 =	simm.s32 @p0 $0x1  }
0x13: {  	[smem:$0x3FB1] =	sst s0;
	s0 =	simm.s32 @!p1 $0x0  }
0x14: {  	s2 =	sld [smem:$0x3F95];
	s0 =	simm.s32 @p1 $0x1  }
0x15: {  	[smem:$0x3FB2] =	sst s0;
	s0 =	simm.s32 @!p2 $0x0  }
0x16: {  	s3 =	sld [smem:$0x3FDB];
	s0 =	simm.s32 @p2 $0x1  }
0x17: {  	s4 =	simm.s32 $0x1BF5;
	[smem:$0x3FB4] =	sst s0  }
0x18: {  	s0 =	sld [smem:$0x3F97];
	_ =	swait.ge [sflag:s4], $0x0  }
0x19: {  	s7 =	sld [smem:$0x3F98]  }
0x1a: {  	s8 =	sadd.s32 $0xFFFFE003, lr  }
0x1b: {  	s9 =	sadd.s32 $0xFFFFFEF7, lr;
	s5 =	simm.s32 $0xFFFFFFFF;
	p2 =	slt.u32 s8, $0xFFFFF086  }
0x1c: {  	p1 =	slt.u32 s9, $0xF7A;
	s5 =	simm.s32 @!p2 $0x0  }
0x1d: {  	s5 =	simm.s32 @p1 $0x1;
	p0 =	seq.s32 s7, s2  }
0x1e: {  	s7 =	smul.u32 @!p0 $0xF7A, s2;
	p2 =	seq.s32 @!p0 s5, $0x0  }
0x1f: {  	s9 =	smul.u32 $0xF7A, s1;
	s8 =	simm.s32 @!p0 $0x1BF5;
	p2 =	por !p2, p0  }
0x20: {  	[sflag:s8] =	ssyncset.s32 @!p0 $0xFFFFF086;
	s6 =	sadd.s32 @!p0 s3, s7;
	s7 =	simm.s32 @!p0 $0x108  }
0x21: {  	s3 =	sadd.s32 s3, s9;
	s6 =	sadd.s32 @!p0 $0x88, s6;
	s7 =	simm.s32 @p2 $0x1082  }
0x22: {  	[simem:s7], [sflag:s8] =	dma.local @!p0 [hbm:s6], $0xF7A  }
0x23: {  	s9 =	sor.u32 $0xD0000000, s2;
	s6 =	simm.s32 $0x108;
	_ =	swait.ge @!p0 [sflag:s8], $0x0  }
0x24: {  	s3 =	sadd.s32 $0x88, s3;
	s6 =	simm.s32 @!p1 $0x1082;
	[sflag:s4] =	ssyncset.s32 $0xFFFFF086  }
0x25: {  	[simem:s6], [sflag:s4] =	dma.local [hbm:s3], $0xF7A  }
0x26: {  	[smem:$0x3F98] =	sst s1;
	(tag) =	ssettag s2;
	_ =	strace s9  }
0x27: {  	s1 =	sld [smem:$0x3FA8]  }
0x28: {  	s2 =	sld [smem:$0x3FA9]  }
0x29: {  	s4 =	sld [smem:$0x3FAB]  }
0x2a: {  	p0 =	seq.s32 s5, $0x0;
	s5 =	sld [smem:$0x3FAC]  }
0x2b: {  	s6 =	sld [smem:$0x3FAD]  }
0x2c: {  	s7 =	sld [smem:$0x3FAE]  }
0x2d: {  	s3 =	simm.s32 $0x108;
	s8 =	sld [smem:$0x3FAF]  }
0x2e: {  	s3 =	simm.s32 @!p0 $0x1082;
	s9 =	sld [smem:$0x3FB0]  }
0x2f: {  	lr =	sadd.s32 s0, s3;
	s0 =	sld [smem:$0x3FA7]  }
0x30: {  	s3 =	sld [smem:$0x3FAA]  }
0x31: {  	[smem:$0x3FB3] =	sst s10  }
0x32: {  	s10 =	sld [smem:$0x3FB1];
	_ =	sdelay $0x3  }
0x33: {  	p0 =	seq.s32 s10, $0x1;
	s10 =	sld [smem:$0x3FB3];
	_ =	sdelay $0x3  }
0x34: {  	[smem:$0x3FB3] =	sst s10  }
0x35: {  	s10 =	sld [smem:$0x3FB2];
	_ =	sdelay $0x3  }
0x36: {  	p1 =	seq.s32 s10, $0x1;
	s10 =	sld [smem:$0x3FB3];
	_ =	sdelay $0x3  }
0x37: {  	[smem:$0x3FB3] =	sst s10  }
0x38: {  	s10 =	sld [smem:$0x3FB4]  }
0x39: {  	_ = 	snop;
	(pc) =	sbr.ind lr, $3  }
0x3a: {  	_ = 	snop  }
0x3b: {  	_ = 	snop  }
0x3c: {  	p2 =	seq.s32 s10, $0x1;
	s10 =	sld [smem:$0x3FB3]  }
0x3d: {  	_ =	shalt  }
0x3e: {  	_ =	shalt  }
0x3f: {  	_ =	shalt  }
0x40: {  	_ =	shalt  }
0x41: {  	_ =	shalt  }
0x42: {  	_ =	shalt  }
0x43: {  	_ =	shalt  }
0x44: {  	_ =	shalt  }
0x45: {  	_ =	shalt  }
0x46: {  	_ =	shalt  }
0x47: {  	_ =	shalt  }
0x48: {  	_ =	shalt  }
0x49: {  	_ =	shalt  }
0x4a: {  	_ =	shalt  }
0x4b: {  	_ =	shalt  }
0x4c: {  	_ =	shalt  }
0x4d: {  	_ =	shalt  }
0x4e: {  	_ =	shalt  }
0x4f: {  	_ =	shalt  }
0x50: {  	_ =	shalt  }
0x51: {  	_ =	shalt  }
0x52: {  	_ =	shalt  }
0x53: {  	_ =	shalt  }
0x54: {  	_ =	shalt  }
0x55: {  	_ =	shalt  }
0x56: {  	_ =	shalt  }
0x57: {  	_ =	shalt  }
0x58: {  	_ =	shalt  }
0x59: {  	_ =	shalt  }
0x5a: {  	_ =	shalt  }
0x5b: {  	_ =	shalt  }
0x5c: {  	_ =	shalt  }
0x5d: {  	_ =	shalt  }
0x5e: {  	_ =	shalt  }
0x5f: {  	_ =	shalt  }
0x60: {  	_ =	shalt  }
0x61: {  	_ =	shalt  }
0x62: {  	_ =	shalt  }
0x63: {  	_ =	shalt  }
0x64: {  	_ =	shalt  }
0x65: {  	_ =	shalt  }
0x66: {  	_ =	shalt  }
0x67: {  	_ =	shalt  }
0x68: {  	_ =	shalt  }
0x69: {  	_ =	shalt  }
0x6a: {  	_ =	shalt  }
0x6b: {  	_ =	shalt  }
0x6c: {  	_ =	shalt  }
0x6d: {  	_ =	shalt  }
0x6e: {  	_ =	shalt  }
0x6f: {  	_ =	shalt  }
0x70: {  	_ =	shalt  }
0x71: {  	_ =	shalt  }
0x72: {  	_ =	shalt  }
0x73: {  	_ =	shalt  }
0x74: {  	_ =	shalt  }
0x75: {  	_ =	shalt  }
0x76: {  	_ =	shalt  }
0x77: {  	_ =	shalt  }
0x78: {  	_ =	shalt  }
0x79: {  	_ =	shalt  }
0x7a: {  	_ =	shalt  }
0x7b: {  	_ =	shalt  }
0x7c: {  	_ =	shalt  }
0x7d: {  	_ =	shalt  }
0x7e: {  	_ =	shalt  }
0x7f: {  	_ =	shalt  }
0x80: {  	_ =	shalt  }
0x81: {  	_ =	shalt  }
0x82: {  	_ =	shalt  }
0x83: {  	_ =	shalt  }
0x84: {  	_ =	shalt  }
0x85: {  	_ =	shalt  }
0x86: {  	_ =	shalt  }
0x87: {  	_ =	shalt  }
.Lfunc_end0:
.L_simem_size_0:
called_computation.1_lowered:
.L_overlay_start_0:
0x88: {  	s2 =	sld [smem:$0x3FD9]  }
0x89: {  	s3 =	sld [smem:$0x3FFE];
	_ =	sdelay $0x1  }
0x8a: {  	s1 =	srdreg.scid  }
0x8b: {  	s0 =	sand.u32 $0x1, s1  }
0x8c: {  	s16 =	sshll.u32 s0, $0xA;
	s2 =	sadd.s32 s3, s2  }
0x8d: {  	s2 =	sadd.s32 s2, s16  }
0x8e: {  	[smem:$0x3FBF] =	sst s2  }
0x8f: {  	_ = 	snop  }
0x90: {  	(tm) =	ssettm $0x1  }
0x91: {  	s17 =	sld [smem:$0x3FFB];
	_ =	sdelay $0x3  }
0x92: {  	_ =	strace s17  }
0x93: {  	s2 =	sld [smem:$0x3FFC];
	_ =	sdelay $0x3  }
0x94: {  	_ =	strace s2  }
0x95: {  	s2 =	sld [smem:$0x3FFD];
	_ =	sdelay $0x3  }
0x96: {  	_ =	strace s2  }
0x97: {  	_ =	strace $0x8FFFFFFF  }
0x98: {  	s18 =	sld [smem:$0x3FDB];
	_ =	sdelay $0x1  }
0x99: {  	s19 =	simm.s32 $_scs_section_size  }
0x9a: {  	s4 =	simm.s32 $_size__tile_overlayer_lowered;
	s5 =	simm.s32 $_tile_overlayer_lowered  }
0x9b: {  	s22 =	simm.s32 $0x1BFF;
	s21 =	sshll.u32 s5, $0x1;
	s2 =	sadd.s32 s19, s18  }
0x9c: {  	s6 =	simm.s32 $0x0;
	s20 =	sshll.u32 s4, $0x1;
	s4 =	sadd.s32 s21, s2  }
0x9d: {  	[timem:s6], [sflag:s22] =	dma.local [hbm:s4], s20  }
0x9e: {  	_ =	swait.ge [sflag:s22], s20  }
0x9f: {  	s3 =	ssub.s32 $0x0, s20;
	[sflag:s22] =	ssyncset.done $0x0  }
0xa0: {  	[sflag:s22] =	ssyncadd.s32 s3;
	_ =	sdelay $0x1  }
0xa1: {  	s23 =	simm.s32 $0x1B8B  }
0xa2: {  	_ =	swait.ge [sflag:s23], $0x1  }
0xa3: {  	[sflag:s23] =	ssyncset.done $0x0  }
0xa4: {  	s25 =	simm.s32 $0x1B8E;
	s24 =	sld [smem:$0x3FFE];
	[sflag:s23] =	ssyncadd.s32 $0xFFFFFFFF  }
0xa5: {  	s26 =	simm.s32 $execute0_lowered;
	[smem:$0x3FD2] =	sst s25  }
0xa6: {  	s4 =	sshll.u32 s26, $0x1;
	_ =	strace $0x80000049;
	[dreg:$0x1] =	wrdreg $0xFFFFFFFF  }
0xa7: {  	s28 =	simm.s32 $_size_execute0_lowered;
	s2 =	sadd.s32 s2, s4;
	[dreg:$0x0] =	wrdreg $0x0  }
0xa8: {  	s4 =	sshll.u32 s28, $0x1;
	[dreg:$0x2] =	wrdreg s2  }
0xa9: {  	[dreg:$0x3] =	wrdreg s4  }
0xaa: {  	[dreg:$0x4] =	wrdreg $0xC0  }
0xab: {  	_ =	task [dreg:s6], $0x5FFFF  }
0xac: {  	[dreg:$0x1] =	wrdreg $0xFFFFFFFF  }
0xad: {  	[dreg:$0x0] =	wrdreg $0x60  }
0xae: {  	[dreg:$0x2] =	wrdreg s24  }
0xaf: {  	[dreg:$0x3] =	wrdreg $0xB5000  }
0xb0: {  	[dreg:$0x4] =	wrdreg $0x9  }
0xb1: {  	_ =	task.clear_ibuf [dreg:s6], $0x5FFFF;
	_ =	strace $0x90000049  }
0xb2: {  	s29 =	simm.s32 $0x9;
	_ =	strace $0x8000004B  }
0xb3: {  	_ =	swait.ge [sflag:s29], $0x1  }
0xb4: {  	[sflag:s29] =	ssyncadd.s32 $0xFFFFFFFF  }
0xb5: {  	_ =	strace $0x9000004B  }
0xb6: {  	_ =	sfence  }
0xb7: {  	s30 =	sld [smem:$0x0];
	_ =	sdelay $0x2  }
0xb8: {  	s31 =	sshll.u32 s1, $0xD;
	s1 =	sshrl.u32 s1, $0x2  }
0xb9: {  	s3 =	sand.u32 $0x4000, s31;
	s1 =	sadd.s32 s1, s30  }
0xba: {  	s0 =	sor.u32 s3, s0;
	s1 =	sshll.u32 s1, $0x11  }
0xbb: {  	s0 =	sor.u32 s1, s0  }
0xbc: {  	s0 =	sadd.s32 $0x8F2B, s0  }
0xbd: {  	[sflag:s0] =	ssyncadd.remote.s32 $0x1  }
0xbe: {  	_ =	sfence.sel $0xFFFF  }
0xbf: {  	[dreg:$0x0] =	wrdreg $0xFFFFFFFF;
	(pc) =	sbr.abs _section_cstart, $3  }
0xc0: {  	[dreg:$0x1] =	wrdreg $0xFFFFFFFF  }
0xc1: {  	_ =	task.clear_ibuf [dreg:s6], $0x2FFFF;
	_ =	strace $0x9FFFFFFF  }
0xc2: {  	(tm) =	ssettm $0x7FFFFFFF  }
0xc3: {  	_ =	shalt  }
tec
execute0_lowered:
.L_overlay_start_1:
0x0: {  	(tag) =	ssettag $0x1  }
0x1: {  	s0 =	srdreg.scid;
	s1 =	rddreg [dreg:$0x0]  }
0x2: {  	s9 =	stileid.u32;
	s2 =	rddreg [dreg:$0x1];
	s7 =	simm.s32 $0x0  }
0x3: {  	s30 =	simm.s32 $0xB000;
	s31 =	simm.s32 $0x3;
	s6 =	smul.u32 $0x5000, s9  }
0x4: {  	s0 =	sand.u32 $0x1, s0;
	s4 =	sshll.u32 s9, $0x1;
	s13 =	smul.u32 $0x14000, s9  }
0x5: {  	[smem:$0x7FF] =	sst s7;
	s15 =	sadd.s32 $0xC500, s1;
	s3 =	smul.u32 $0x50000, s0  }
0x6: {  	s5 =	sor.u32 s0, s4;
	_ =	strace $0x8000004A;
	s4 =	sadd.s32 $0x16600, s1  }
0x7: {  	s0 =	ssub.s32 $0x2, s0;
	[dreg:$0x5] =	wrdreg s15;
	s12 =	smul.u32 $0x500, s5  }
0x8: {  	s8 =	sshrl.u32 s0, $0x1;
	p0 =	seq.s32 s5, $0x1F;
	s5 =	simm.s32 $0x14  }
0x9: {  	s17 =	sshrl.u32 s13, $0x2;
	s18 =	sadd.s32 s6, s2;
	s0 =	ssub.s32 s0, s8  }
0xa: {  	s3 =	sadd.s32 s6, s3;
	s7 =	sadd.s32 s12, s1;
	s0 =	smax.u32 s0, $0x1  }
0xb: {  	s3 =	sshrl.u32 s3, $0x3;
	s14 =	sadd.s32 $0x2A00, s7;
	[dreg:$0x8] =	wrdreg s0  }
0xc: {  	s12 =	sadd.s32 s17, s2;
	s7 =	sadd.s32 $0xC800, s7;
	[dreg:$0x3] =	wrdreg s14  }
0xd: {  	s3 =	sadd.s32 s3, s1;
	s1 =	sadd.s32 $0x16300, s1;
	[dreg:$0x4] =	wrdreg s7  }
0xe: {  	s5 =	simm.s32 @!p0 $0x50;
	s21 =	sadd.s32 $0x500, s12;
	[dreg:$0x6] =	wrdreg s1  }
0xf: {  	s6 =	simm.s32 $0x0;
	s22 =	sadd.s32 $0xA00, s12;
	[dreg:$0x9] =	wrdreg s21  }
0x10: {  	s23 =	sadd.s32 $0xF00, s12;
	s24 =	sadd.s32 $0x1400, s12;
	[dreg:$0xa] =	wrdreg s22  }
0x11: {  	s25 =	sadd.s32 $0x1900, s12;
	s26 =	sadd.s32 $0x1E00, s12;
	[dreg:$0xb] =	wrdreg s23  }
0x12: {  	s19 =	sadd.s32 $0x2300, s12;
	s20 =	sadd.s32 $0x2800, s12;
	[dreg:$0xc] =	wrdreg s24  }
0x13: {  	s28 =	sadd.s32 $0x4600, s12;
	s29 =	sadd.s32 $0x4B00, s12;
	[dreg:$0xd] =	wrdreg s25  }
0x14: {  	s0 =	simm.s32 $0x1;
	s16 =	sadd.s32 $0x20600, s3;
	[dreg:$0xe] =	wrdreg s26  }
0x15: {  	s21 =	sadd.s32 $0x2D00, s12;
	s22 =	sadd.s32 $0x3200, s12;
	s23 =	sadd.s32 $0x3700, s12  }
0x16: {  	s24 =	sadd.s32 $0x3C00, s12;
	s25 =	sshrl.u32 s18, $0x3;
	s26 =	sadd.s32 $0x4100, s12  }
0x17: {  	v0 =	vimm.f32 $0.0e+00;
	s1 =	simm.s32 $0x80;
	s3 =	simm.s32 $0x2;
	[dreg:$0x7] =	wrdreg s16  }
.LBB2_1:
0x18: {  	s8 =	simm.s32 $0x0  }
0x19: {  	s7 =	sand.u32 $0x1F80, s8  }
0x1a: {  	s8 =	sand.u32 $0x10, s8;
	s9 =	sshrl.u32 s7, $0x2  }
0x1b: {  	s7 =	simm.s32 $0x40;
	s9 =	sor.u32 s8, s9;
	s8 =	simm.s32 $0x0  }
.LBB2_2:
0x1c: {  	p1 =	sne.s32 s7, $0x13C0  }
0x1d: {  	[tilespmem:s9+$0xB000] =	vst v0;
	s8 =	sadd.s32 $0x10, s8;
	s9 =	smov.u32 s7;
	s7 =	sadd.s32 $0x40, s7  }
.Ltmp0:
0x1e: {  	(pc) =	sbr.rel @p1 .LBB2_2-.Ltmp0, $4  }
0x1f: {  	_ = 	snop  }
0x20: {  	s9 =	sand.u32 $0x1F80, s9  }
0x21: {  	s10 =	sand.u32 $0x10, s8;
	s9 =	sshrl.u32 s9, $0x2  }
0x22: {  	s9 =	sor.u32 s10, s9  }
0x23: {  	[tilespmem:s9+$0xB000] =	vst v0  }
0x24: {  	[spmem:s12] =	stream.linear.scatter [tilespmem:s30], [sflag:$0x3], $0x500, $0x38;
	[tilespmem:$0x10500] =	vst v63  }
0x25: {  	_ =	swait.ge [sflag:s31], $0x500  }
0x26: {  	[sflag:s31] =	ssyncset.done $0x0  }
0x27: {  	s7 =	rddreg [dreg:$0x9];
	[sflag:s31] =	ssyncadd.s32 $0xFFFFFB00  }
0x28: {  	[spmem:s7] =	stream.linear.scatter [tilespmem:s30], [sflag:$0x3], $0x500, $0x38;
	[tilespmem:$0x10500] =	vst v63  }
0x29: {  	_ =	swait.ge [sflag:s31], $0x500  }
0x2a: {  	[sflag:s31] =	ssyncset.done $0x0  }
0x2b: {  	s13 =	rddreg [dreg:$0xa];
	[sflag:s31] =	ssyncadd.s32 $0xFFFFFB00  }
0x2c: {  	[spmem:s13] =	stream.linear.scatter [tilespmem:s30], [sflag:$0x3], $0x500, $0x38;
	[tilespmem:$0x10500] =	vst v63  }
0x2d: {  	_ =	swait.ge [sflag:s31], $0x500  }
0x2e: {  	[sflag:s31] =	ssyncset.done $0x0  }
0x2f: {  	s14 =	rddreg [dreg:$0xb];
	[sflag:s31] =	ssyncadd.s32 $0xFFFFFB00  }
0x30: {  	[spmem:s14] =	stream.linear.scatter [tilespmem:s30], [sflag:$0x3], $0x500, $0x38;
	[tilespmem:$0x10500] =	vst v63  }
0x31: {  	_ =	swait.ge [sflag:s31], $0x500  }
0x32: {  	[sflag:s31] =	ssyncset.done $0x0  }
0x33: {  	s15 =	rddreg [dreg:$0xc];
	[sflag:s31] =	ssyncadd.s32 $0xFFFFFB00  }
0x34: {  	[spmem:s15] =	stream.linear.scatter [tilespmem:s30], [sflag:$0x3], $0x500, $0x38;
	[tilespmem:$0x10500] =	vst v63  }
0x35: {  	_ =	swait.ge [sflag:s31], $0x500  }
0x36: {  	[sflag:s31] =	ssyncset.done $0x0  }
0x37: {  	s16 =	rddreg [dreg:$0xd];
	[sflag:s31] =	ssyncadd.s32 $0xFFFFFB00  }
0x38: {  	[spmem:s16] =	stream.linear.scatter [tilespmem:s30], [sflag:$0x3], $0x500, $0x38;
	[tilespmem:$0x10500] =	vst v63  }
0x39: {  	_ =	swait.ge [sflag:s31], $0x500  }
0x3a: {  	[sflag:s31] =	ssyncset.done $0x0  }
0x3b: {  	s17 =	rddreg [dreg:$0xe];
	[sflag:s31] =	ssyncadd.s32 $0xFFFFFB00  }
0x3c: {  	[spmem:s17] =	stream.linear.scatter [tilespmem:s30], [sflag:$0x3], $0x500, $0x38;
	[tilespmem:$0x10500] =	vst v63  }
0x3d: {  	_ =	swait.ge [sflag:s31], $0x500  }
0x3e: {  	[sflag:s31] =	ssyncset.done $0x0  }
0x3f: {  	[sflag:s31] =	ssyncadd.s32 $0xFFFFFB00  }
0x40: {  	[spmem:s19] =	stream.linear.scatter [tilespmem:s30], [sflag:$0x3], $0x500, $0x38;
	[tilespmem:$0x10500] =	vst v63  }
0x41: {  	_ =	swait.ge [sflag:s31], $0x500  }
0x42: {  	[sflag:s31] =	ssyncset.done $0x0  }
0x43: {  	[sflag:s31] =	ssyncadd.s32 $0xFFFFFB00  }
0x44: {  	[spmem:s20] =	stream.linear.scatter [tilespmem:s30], [sflag:$0x3], $0x500, $0x38;
	[tilespmem:$0x10500] =	vst v63  }
0x45: {  	_ =	swait.ge [sflag:s31], $0x500  }
0x46: {  	[sflag:s31] =	ssyncset.done $0x0  }
0x47: {  	[sflag:s31] =	ssyncadd.s32 $0xFFFFFB00  }
0x48: {  	[spmem:s21] =	stream.linear.scatter [tilespmem:s30], [sflag:$0x3], $0x500, $0x38;
	[tilespmem:$0x10500] =	vst v63  }
0x49: {  	_ =	swait.ge [sflag:s31], $0x500  }
0x4a: {  	[sflag:s31] =	ssyncset.done $0x0  }
0x4b: {  	[sflag:s31] =	ssyncadd.s32 $0xFFFFFB00  }
0x4c: {  	[spmem:s22] =	stream.linear.scatter [tilespmem:s30], [sflag:$0x3], $0x500, $0x38;
	[tilespmem:$0x10500] =	vst v63  }
0x4d: {  	_ =	swait.ge [sflag:s31], $0x500  }
0x4e: {  	[sflag:s31] =	ssyncset.done $0x0  }
0x4f: {  	[sflag:s31] =	ssyncadd.s32 $0xFFFFFB00  }
0x50: {  	[spmem:s23] =	stream.linear.scatter [tilespmem:s30], [sflag:$0x3], $0x500, $0x38;
	[tilespmem:$0x10500] =	vst v63  }
0x51: {  	_ =	swait.ge [sflag:s31], $0x500  }
0x52: {  	[sflag:s31] =	ssyncset.done $0x0  }
0x53: {  	[sflag:s31] =	ssyncadd.s32 $0xFFFFFB00  }
0x54: {  	[spmem:s24] =	stream.linear.scatter [tilespmem:s30], [sflag:$0x3], $0x500, $0x38;
	[tilespmem:$0x10500] =	vst v63  }
0x55: {  	_ =	swait.ge [sflag:s31], $0x500  }
0x56: {  	[sflag:s31] =	ssyncset.done $0x0  }
0x57: {  	[sflag:s31] =	ssyncadd.s32 $0xFFFFFB00  }
0x58: {  	[spmem:s26] =	stream.linear.scatter [tilespmem:s30], [sflag:$0x3], $0x500, $0x38;
	[tilespmem:$0x10500] =	vst v63  }
0x59: {  	_ =	swait.ge [sflag:s31], $0x500  }
0x5a: {  	[sflag:s31] =	ssyncset.done $0x0  }
0x5b: {  	[sflag:s31] =	ssyncadd.s32 $0xFFFFFB00  }
0x5c: {  	[spmem:s28] =	stream.linear.scatter [tilespmem:s30], [sflag:$0x3], $0x500, $0x38;
	[tilespmem:$0x10500] =	vst v63  }
0x5d: {  	_ =	swait.ge [sflag:s31], $0x500  }
0x5e: {  	[sflag:s31] =	ssyncset.done $0x0  }
0x5f: {  	[sflag:s31] =	ssyncadd.s32 $0xFFFFFB00  }
0x60: {  	[spmem:s29] =	stream.linear.scatter [tilespmem:s30], [sflag:$0x3], $0x500, $0x38;
	[tilespmem:$0x10500] =	vst v63  }
0x61: {  	_ =	swait.ge [sflag:s31], $0x500  }
0x62: {  	[sflag:s31] =	ssyncset.done $0x0  }
0x63: {  	s7 =	simm.s32 @p0 $0x0;
	s8 =	rddreg [dreg:$0x5];
	[sflag:s31] =	ssyncadd.s32 $0xFFFFFB00  }
0x64: {  	[tilespmem:s7], [sflag:$0x3] =	stream.linear.gather @p0 [hbm4b:s8+s7], $0xC00, $0x38;
	[tilespmem:$0x10500] =	vst v63  }
0x65: {  	s8 =	simm.s32 @p0 $0x3  }
0x66: {  	_ =	swait.ge @p0 [sflag:s8], $0xC00  }
0x67: {  	[sflag:s8] =	ssyncset.done @p0 $0x0  }
0x68: {  	s9 =	simm.s32 @p0 $0x2800;
	s10 =	rddreg [dreg:$0x6];
	[sflag:s8] =	ssyncadd.s32 @p0 $0xFFFFF400  }
0x69: {  	[tilespmem:s9], [sflag:$0x3] =	stream.linear.gather @p0 [hbm4b:s10+s7], $0xC00, $0x38;
	[tilespmem:$0x10500] =	vst v63  }
0x6a: {  	_ =	swait.ge @p0 [sflag:s8], $0xC00  }
0x6b: {  	[sflag:s8] =	ssyncset.done @p0 $0x0  }
0x6c: {  	s7 =	simm.s32 @!p0 $0x0;
	[sflag:s8] =	ssyncadd.s32 @p0 $0xFFFFF400;
	s8 =	rddreg [dreg:$0x3]  }
0x6d: {  	[tilespmem:s7], [sflag:$0x3] =	stream.linear.gather @!p0 [hbm4b:s8+s7], $0x2800, $0x38;
	[tilespmem:$0x10500] =	vst v63  }
0x6e: {  	s8 =	simm.s32 @!p0 $0x3  }
0x6f: {  	_ =	swait.ge @!p0 [sflag:s8], $0x2800  }
0x70: {  	[sflag:s8] =	ssyncset.done @!p0 $0x0  }
0x71: {  	s9 =	simm.s32 @!p0 $0x2800;
	s10 =	rddreg [dreg:$0x4];
	[sflag:s8] =	ssyncadd.s32 @!p0 $0xFFFFD800  }
0x72: {  	[tilespmem:s9], [sflag:$0x3] =	stream.linear.gather @!p0 [hbm4b:s10+s7], $0x2800, $0x38;
	[tilespmem:$0x10500] =	vst v63  }
0x73: {  	_ =	swait.ge @!p0 [sflag:s8], $0x2800  }
0x74: {  	s18 =	simm.s32 $0x5000;
	s11 =	simm.s32 $0x7000;
	[sflag:s8] =	ssyncset.done @!p0 $0x0  }
0x75: {  	p1 =	por $0x1, $0x1;
	p2 =	sle.u32 s5, $0x4;
	[sflag:s8] =	ssyncadd.s32 @!p0 $0xFFFFD800  }
0x76: {  	s13 =	simm.s32 $0x4;
	s9 =	simm.s32 $0x0;
	[bflag:$0x0] =	sbarrier.arrive $0xFFFF  }
0x77: {  	[tilespmem:s18], [sflag:$0x1] =	stream.indirect.gather [hbm4b:s4+s1], $0x20, s9, s1, $0xb8;
	[tilespmem:$0x10500] =	vst v63  }
0x78: {  	s14 =	simm.s32 $0x180;
	s7 =	smulhi.u32 $0xAAAAAAAB, s13;
	s8 =	simm.s32 $0x6000  }
0x79: {  	[tilespmem:s8], [sflag:$0x1] =	stream.indirect.gather [hbm4b:s4+s1], $0x20, s1, s1, $0xb8;
	[tilespmem:$0x10500] =	vst v63  }
0x7a: {  	s15 =	simm.s32 $0x8000;
	s10 =	simm.s32 $0x100;
	s13 =	smulhi.u32 $0xAAAAAAAB, s9  }
0x7b: {  	[tilespmem:s11], [sflag:$0x1] =	stream.indirect.gather [hbm4b:s4+s1], $0x20, s10, s1, $0xb8;
	[tilespmem:$0x10500] =	vst v63  }
0x7c: {  	s16 =	sshrl.u32 s7, $0x2;
	s7 =	simm.s32 $0x2800;
	s11 =	simm.s32 @!p1 $0x2  }
0x7d: {  	[tilespmem:s15], [sflag:$0x1] =	stream.indirect.gather [hbm4b:s4+s1], $0x20, s14, s1, $0xb8;
	[tilespmem:$0x10500] =	vst v63  }
0x7e: {  	s17 =	smul.u32 $0xFFFE8000, s16;
	s13 =	sshrl.u32 s13, $0x2;
	_ =	swait.ge @!p1 [sflag:s11], $0x1000  }
0x7f: {  	s9 =	simm.s32 $0x6000;
	s18 =	smul.u32 $0xFFFE8000, s13;
	[sflag:s11] =	ssyncset.done @!p1 $0x0  }
0x80: {  	s13 =	simm.s32 @!p2 $0x80;
	[sflag:s11] =	ssyncadd.s32 @!p1 $0xFFFFF000;
	p1 =	sne.s32 s5, $0x1  }
.Ltmp1:
0x81: {  	s8 =	simm.s32 $0x200;
	s10 =	sshra.s32 s17, $0x2;
	(pc) =	sbr.rel @!p1 .LBB2_5-.Ltmp1, $4  }
0x82: {  	s10 =	sadd.s32 $0x9000, s10;
	s14 =	simm.s32 $0x1;
	s11 =	sshra.s32 s18, $0x2  }
0x83: {  	[tilespmem:s10], [sflag:$0x1] =	stream.indirect.gather @!p2 [hbm4b:s4+s13], $0x20, s8, s13, $0xb8;
	[tilespmem:$0x10500] =	vst v63  }
0x84: {  	s10 =	simm.s32 $0x5;
	s15 =	sadd.s32 $0x5000, s11;
	_ =	swait.ge [sflag:s0], $0x1000  }
0x85: {  	s11 =	simm.s32 $0xA000;
	s13 =	simm.s32 $0x2800;
	[sflag:s0] =	ssyncset.done $0x0  }
.LBB2_4:
0x86: {  	[sflag:s0] =	ssyncadd.s32 $0xFFFFF000;
	s13 =	sadd.s32 $0x80, s13;
	s8 =	sadd.s32 $0x80, s8  }
0x87: {  	[spmem:s2] =	stream.indirect.scatter.add.f32 [tilespmem:s15], [sflag:$0x2], $0x20, s7, s1, $0xb8;
	[tilespmem:$0x10500] =	vst v63  }
0x88: {  	s16 =	smov.u32 s9;
	s15 =	smulhi.u32 $0xAAAAAAAB, s10;
	s7 =	smov.u32 s13  }
0x89: {  	p1 =	slt.u32 s14, $0x2;
	s9 =	sadd.s32 $0x1000, s9  }
0x8a: {  	s18 =	smulhi.u32 $0xAAAAAAAB, s14;
	s14 =	sadd.s32 $0x4, s14;
	s15 =	sshrl.u32 s15, $0x2  }
0x8b: {  	s17 =	simm.s32 @!p1 $0x2;
	s10 =	sadd.s32 $0x1, s10;
	s15 =	smul.u32 $0xFFFE8000, s15  }
0x8c: {  	p2 =	sge.u32 s14, s5;
	_ =	swait.ge @!p1 [sflag:s17], $0x1000  }
0x8d: {  	s14 =	sadd.s32 $0xFFFFFFFD, s14;
	s15 =	sshra.s32 s15, $0x2;
	[sflag:s17] =	ssyncset.done @!p1 $0x0  }
0x8e: {  	[sflag:s17] =	ssyncadd.s32 @!p1 $0xFFFFF000;
	p1 =	sne.s32 s14, s5  }
.Ltmp2:
0x8f: {  	s18 =	sshrl.u32 s18, $0x2;
	s15 =	sadd.s32 s15, s11;
	(pc) =	sbr.rel @p1 .LBB2_4-.Ltmp2, $4  }
0x90: {  	s17 =	smul.u32 $0xFFFE8000, s18;
	s18 =	simm.s32 @!p2 $0x80  }
0x91: {  	[tilespmem:s15], [sflag:$0x1] =	stream.indirect.gather @!p2 [hbm4b:s4+s18], $0x20, s8, s18, $0xb8;
	[tilespmem:$0x10500] =	vst v63  }
0x92: {  	s15 =	sshra.s32 s17, $0x2;
	_ =	swait.ge [sflag:s0], $0x1000  }
0x93: {  	s11 =	sadd.s32 $0x1000, s11;
	s15 =	sadd.s32 s15, s16;
	[sflag:s0] =	ssyncset.done $0x0  }
.LBB2_5:
0x94: {  	[sflag:s0] =	ssyncadd.s32 $0xFFFFF000  }
0x95: {  	[spmem:s2] =	stream.indirect.scatter.add.f32 [tilespmem:s15], [sflag:$0x2], $0x20, s7, s1, $0xb8;
	[tilespmem:$0x10500] =	vst v63  }
0x96: {  	_ =	swait.ge [sflag:s3], $0x1000  }
0x97: {  	[sflag:s3] =	ssyncset.done $0x0  }
0x98: {  	[sflag:s3] =	ssyncadd.s32 $0xFFFFF000  }
0x99: {  	_ =	swait.ge [sflag:s3], $0x1000  }
0x9a: {  	[sflag:s3] =	ssyncset.done $0x0  }
0x9b: {  	s17 =	stileid.u32;
	[sflag:s3] =	ssyncadd.s32 $0xFFFFF000  }
0x9c: {  	s7 =	sshll.u32 s17, $0x6;
	[bflag:$0x0] =	sbarrier.arrive $0xFFFF  }
0x9d: {  	s7 =	sor.u32 $0x1C03, s7;
	s8 =	rddreg [dreg:$0x7]  }
0x9e: {  	[hbm:s8], [sflag:s7] =	dma.local [spmem:s25], $0xA00  }
0x9f: {  	_ =	swait.ge [sflag:s31], $0xA00  }
0xa0: {  	s6 =	sadd.s32 $0x1, s6;
	s18 =	rddreg [dreg:$0x8]  }
0xa1: {  	p1 =	sne.s32 s6, s18  }
.Ltmp3:
0xa2: {  	_ = 	snop;
	(pc) =	sbr.rel @p1 .LBB2_1-.Ltmp3, $3  }
0xa3: {  	_ =	sdelay $0x1  }
0xa4: {  	[sflag:s31] =	ssyncset.done $0x0  }
0xa5: {  	[sflag:s31] =	ssyncadd.s32 $0xFFFFF600  }
0xa6: {  	_ =	sfence.sel $0x180000  }
0xa7: {  	[bflag:$0x0] =	sbarrier.arrive $0xFFFF  }
0xa8: {  	_ =	strace $0x9000004A  }
0xa9: {  	s0 =	stileid.u32;
	[bflag:$0x2] =	sbarrier.arrive $0xFFFF  }
0xaa: {  	p0 =	sne.s32 s0, $0x0;
	s0 =	rddreg [dreg:$0x2]  }
0xab: {  	s0 =	sadd.s32 @!p0 $0x100000, s0  }
0xac: {  	[sflag:s0] =	ssyncadd.tile.s32 @!p0 $0x1;
	_ =	shalt  }
.Lfunc_end2:
_tile_overlayer_lowered:
.L_overlay_start_2:
0xad: {  	(tag) =	ssettag $0x2  }
0xae: {  	s0 =	rddreg [dreg:$0x0];
	s2 =	stileid.u32  }
0xaf: {  	s1 =	rddreg [dreg:$0x1];
	p0 =	sne.s32 s2, $0x0  }
0xb0: {  	s3 =	rddreg [dreg:$0x2];
	[bflag:$0x3] =	sbarrier.arrive $0xFFFF;
	s2 =	simm.s32 @!p0 $0x1C03  }
0xb1: {  	[timem:s3], [sflag:s2] =	dma.local @!p0 [hbm:s0], s1  }
0xb2: {  	s0 =	simm.s32 @!p0 $0x3  }
0xb3: {  	_ =	swait.ge @!p0 [sflag:s0], s1  }
0xb4: {  	s1 =	ssub.s32 @!p0 $0x0, s1;
	[sflag:s0] =	ssyncset.done @!p0 $0x0  }
0xb5: {  	[sflag:s0] =	ssyncadd.s32 @!p0 s1  }
0xb6: {  	[bflag:$0x3] =	sbarrier.arrive $0xFFFF  }
0xb7: {  	_ =	shalt  }

// kernel: kernel.15.cloned.1.call-start
scs
__scs_entry_jumppad:
0x0: {  	(pc) =	sbr.rel $0x88, $3  }
0x1: {  	(tag) =	ssettag $0x0;
	lr =	simm.s32 $0x1  }
0x2: {  	[smem:$0x3F98] =	sst lr;
	_ =	strace $0xD0000000  }
0x3: {  	_ = 	snop  }
0x4: {  	_ = 	snop  }
0x5: {  	_ = 	snop  }
0x6: {  	_ = 	snop  }
0x7: {  	_ = 	snop  }
__scs_overlays_trampoline_lowered:
0x8: {  	[smem:$0x3FA7] =	sst s0  }
0x9: {  	[smem:$0x3FA8] =	sst s1  }
0xa: {  	[smem:$0x3FA9] =	sst s2  }
0xb: {  	[smem:$0x3FAA] =	sst s3  }
0xc: {  	[smem:$0x3FAB] =	sst s4  }
0xd: {  	[smem:$0x3FAC] =	sst s5  }
0xe: {  	[smem:$0x3FAD] =	sst s6  }
0xf: {  	[smem:$0x3FAE] =	sst s7  }
0x10: {  	[smem:$0x3FAF] =	sst s8  }
0x11: {  	[smem:$0x3FB0] =	sst s9;
	s0 =	simm.s32 @!p0 $0x0  }
0x12: {  	s1 =	sld [smem:$0x3F96];
	s0 =	simm.s32 @p0 $0x1  }
0x13: {  	[smem:$0x3FB1] =	sst s0;
	s0 =	simm.s32 @!p1 $0x0  }
0x14: {  	s2 =	sld [smem:$0x3F95];
	s0 =	simm.s32 @p1 $0x1  }
0x15: {  	[smem:$0x3FB2] =	sst s0;
	s0 =	simm.s32 @!p2 $0x0  }
0x16: {  	s3 =	sld [smem:$0x3FDB];
	s0 =	simm.s32 @p2 $0x1  }
0x17: {  	s4 =	simm.s32 $0x1BF5;
	[smem:$0x3FB4] =	sst s0  }
0x18: {  	s0 =	sld [smem:$0x3F97];
	_ =	swait.ge [sflag:s4], $0x0  }
0x19: {  	s7 =	sld [smem:$0x3F98]  }
0x1a: {  	s8 =	sadd.s32 $0xFFFFE003, lr  }
0x1b: {  	s9 =	sadd.s32 $0xFFFFFEF7, lr;
	s5 =	simm.s32 $0xFFFFFFFF;
	p2 =	slt.u32 s8, $0xFFFFF086  }
0x1c: {  	p1 =	slt.u32 s9, $0xF7A;
	s5 =	simm.s32 @!p2 $0x0  }
0x1d: {  	s5 =	simm.s32 @p1 $0x1;
	p0 =	seq.s32 s7, s2  }
0x1e: {  	s7 =	smul.u32 @!p0 $0xF7A, s2;
	p2 =	seq.s32 @!p0 s5, $0x0  }
0x1f: {  	s9 =	smul.u32 $0xF7A, s1;
	s8 =	simm.s32 @!p0 $0x1BF5;
	p2 =	por !p2, p0  }
0x20: {  	[sflag:s8] =	ssyncset.s32 @!p0 $0xFFFFF086;
	s6 =	sadd.s32 @!p0 s3, s7;
	s7 =	simm.s32 @!p0 $0x108  }
0x21: {  	s3 =	sadd.s32 s3, s9;
	s6 =	sadd.s32 @!p0 $0x88, s6;
	s7 =	simm.s32 @p2 $0x1082  }
0x22: {  	[simem:s7], [sflag:s8] =	dma.local @!p0 [hbm:s6], $0xF7A  }
0x23: {  	s9 =	sor.u32 $0xD0000000, s2;
	s6 =	simm.s32 $0x108;
	_ =	swait.ge @!p0 [sflag:s8], $0x0  }
0x24: {  	s3 =	sadd.s32 $0x88, s3;
	s6 =	simm.s32 @!p1 $0x1082;
	[sflag:s4] =	ssyncset.s32 $0xFFFFF086  }
0x25: {  	[simem:s6], [sflag:s4] =	dma.local [hbm:s3], $0xF7A  }
0x26: {  	[smem:$0x3F98] =	sst s1;
	(tag) =	ssettag s2;
	_ =	strace s9  }
0x27: {  	s1 =	sld [smem:$0x3FA8]  }
0x28: {  	s2 =	sld [smem:$0x3FA9]  }
0x29: {  	s4 =	sld [smem:$0x3FAB]  }
0x2a: {  	p0 =	seq.s32 s5, $0x0;
	s5 =	sld [smem:$0x3FAC]  }
0x2b: {  	s6 =	sld [smem:$0x3FAD]  }
0x2c: {  	s7 =	sld [smem:$0x3FAE]  }
0x2d: {  	s3 =	simm.s32 $0x108;
	s8 =	sld [smem:$0x3FAF]  }
0x2e: {  	s3 =	simm.s32 @!p0 $0x1082;
	s9 =	sld [smem:$0x3FB0]  }
0x2f: {  	lr =	sadd.s32 s0, s3;
	s0 =	sld [smem:$0x3FA7]  }
0x30: {  	s3 =	sld [smem:$0x3FAA]  }
0x31: {  	[smem:$0x3FB3] =	sst s10  }
0x32: {  	s10 =	sld [smem:$0x3FB1];
	_ =	sdelay $0x3  }
0x33: {  	p0 =	seq.s32 s10, $0x1;
	s10 =	sld [smem:$0x3FB3];
	_ =	sdelay $0x3  }
0x34: {  	[smem:$0x3FB3] =	sst s10  }
0x35: {  	s10 =	sld [smem:$0x3FB2];
	_ =	sdelay $0x3  }
0x36: {  	p1 =	seq.s32 s10, $0x1;
	s10 =	sld [smem:$0x3FB3];
	_ =	sdelay $0x3  }
0x37: {  	[smem:$0x3FB3] =	sst s10  }
0x38: {  	s10 =	sld [smem:$0x3FB4]  }
0x39: {  	_ = 	snop;
	(pc) =	sbr.ind lr, $3  }
0x3a: {  	_ = 	snop  }
0x3b: {  	_ = 	snop  }
0x3c: {  	p2 =	seq.s32 s10, $0x1;
	s10 =	sld [smem:$0x3FB3]  }
0x3d: {  	_ =	shalt  }
0x3e: {  	_ =	shalt  }
0x3f: {  	_ =	shalt  }
0x40: {  	_ =	shalt  }
0x41: {  	_ =	shalt  }
0x42: {  	_ =	shalt  }
0x43: {  	_ =	shalt  }
0x44: {  	_ =	shalt  }
0x45: {  	_ =	shalt  }
0x46: {  	_ =	shalt  }
0x47: {  	_ =	shalt  }
0x48: {  	_ =	shalt  }
0x49: {  	_ =	shalt  }
0x4a: {  	_ =	shalt  }
0x4b: {  	_ =	shalt  }
0x4c: {  	_ =	shalt  }
0x4d: {  	_ =	shalt  }
0x4e: {  	_ =	shalt  }
0x4f: {  	_ =	shalt  }
0x50: {  	_ =	shalt  }
0x51: {  	_ =	shalt  }
0x52: {  	_ =	shalt  }
0x53: {  	_ =	shalt  }
0x54: {  	_ =	shalt  }
0x55: {  	_ =	shalt  }
0x56: {  	_ =	shalt  }
0x57: {  	_ =	shalt  }
0x58: {  	_ =	shalt  }
0x59: {  	_ =	shalt  }
0x5a: {  	_ =	shalt  }
0x5b: {  	_ =	shalt  }
0x5c: {  	_ =	shalt  }
0x5d: {  	_ =	shalt  }
0x5e: {  	_ =	shalt  }
0x5f: {  	_ =	shalt  }
0x60: {  	_ =	shalt  }
0x61: {  	_ =	shalt  }
0x62: {  	_ =	shalt  }
0x63: {  	_ =	shalt  }
0x64: {  	_ =	shalt  }
0x65: {  	_ =	shalt  }
0x66: {  	_ =	shalt  }
0x67: {  	_ =	shalt  }
0x68: {  	_ =	shalt  }
0x69: {  	_ =	shalt  }
0x6a: {  	_ =	shalt  }
0x6b: {  	_ =	shalt  }
0x6c: {  	_ =	shalt  }
0x6d: {  	_ =	shalt  }
0x6e: {  	_ =	shalt  }
0x6f: {  	_ =	shalt  }
0x70: {  	_ =	shalt  }
0x71: {  	_ =	shalt  }
0x72: {  	_ =	shalt  }
0x73: {  	_ =	shalt  }
0x74: {  	_ =	shalt  }
0x75: {  	_ =	shalt  }
0x76: {  	_ =	shalt  }
0x77: {  	_ =	shalt  }
0x78: {  	_ =	shalt  }
0x79: {  	_ =	shalt  }
0x7a: {  	_ =	shalt  }
0x7b: {  	_ =	shalt  }
0x7c: {  	_ =	shalt  }
0x7d: {  	_ =	shalt  }
0x7e: {  	_ =	shalt  }
0x7f: {  	_ =	shalt  }
0x80: {  	_ =	shalt  }
0x81: {  	_ =	shalt  }
0x82: {  	_ =	shalt  }
0x83: {  	_ =	shalt  }
0x84: {  	_ =	shalt  }
0x85: {  	_ =	shalt  }
0x86: {  	_ =	shalt  }
0x87: {  	_ =	shalt  }
.Lfunc_end0:
.L_simem_size_0:
called_computation.2_lowered:
.L_overlay_start_0:
0x88: {  	s2 =	sld [smem:$0x3FD9]  }
0x89: {  	s3 =	sld [smem:$0x3FFE];
	_ =	sdelay $0x1  }
0x8a: {  	s1 =	srdreg.scid  }
0x8b: {  	s0 =	sand.u32 $0x1, s1  }
0x8c: {  	s16 =	sshll.u32 s0, $0xA;
	s2 =	sadd.s32 s3, s2  }
0x8d: {  	s2 =	sadd.s32 s2, s16  }
0x8e: {  	[smem:$0x3FBF] =	sst s2  }
0x8f: {  	_ = 	snop  }
0x90: {  	(tm) =	ssettm $0x1  }
0x91: {  	s17 =	sld [smem:$0x3FFB];
	_ =	sdelay $0x3  }
0x92: {  	_ =	strace s17  }
0x93: {  	s2 =	sld [smem:$0x3FFC];
	_ =	sdelay $0x3  }
0x94: {  	_ =	strace s2  }
0x95: {  	s2 =	sld [smem:$0x3FFD];
	_ =	sdelay $0x3  }
0x96: {  	_ =	strace s2  }
0x97: {  	_ =	strace $0x8FFFFFFF  }
0x98: {  	s18 =	sld [smem:$0x3FDB];
	_ =	sdelay $0x1  }
0x99: {  	s19 =	simm.s32 $_scs_section_size  }
0x9a: {  	s4 =	simm.s32 $_size__tile_overlayer_lowered;
	s5 =	simm.s32 $_tile_overlayer_lowered  }
0x9b: {  	s22 =	simm.s32 $0x1BFF;
	s21 =	sshll.u32 s5, $0x1;
	s2 =	sadd.s32 s19, s18  }
0x9c: {  	s6 =	simm.s32 $0x0;
	s20 =	sshll.u32 s4, $0x1;
	s4 =	sadd.s32 s21, s2  }
0x9d: {  	[timem:s6], [sflag:s22] =	dma.local [hbm:s4], s20  }
0x9e: {  	_ =	swait.ge [sflag:s22], s20  }
0x9f: {  	s3 =	ssub.s32 $0x0, s20;
	[sflag:s22] =	ssyncset.done $0x0  }
0xa0: {  	[sflag:s22] =	ssyncadd.s32 s3;
	_ =	sdelay $0x1  }
0xa1: {  	s23 =	simm.s32 $0x1B8B  }
0xa2: {  	_ =	swait.ge [sflag:s23], $0x1  }
0xa3: {  	[sflag:s23] =	ssyncset.done $0x0  }
0xa4: {  	s25 =	simm.s32 $0x1B8E;
	s24 =	sld [smem:$0x3FFE];
	[sflag:s23] =	ssyncadd.s32 $0xFFFFFFFF  }
0xa5: {  	s26 =	simm.s32 $execute0_lowered;
	[smem:$0x3FD2] =	sst s25  }
0xa6: {  	s4 =	sshll.u32 s26, $0x1;
	_ =	strace $0x8000004C;
	[dreg:$0x1] =	wrdreg $0xFFFFFFFF  }
0xa7: {  	s28 =	simm.s32 $_size_execute0_lowered;
	s2 =	sadd.s32 s2, s4;
	[dreg:$0x0] =	wrdreg $0x0  }
0xa8: {  	s4 =	sshll.u32 s28, $0x1;
	[dreg:$0x2] =	wrdreg s2  }
0xa9: {  	[dreg:$0x3] =	wrdreg s4  }
0xaa: {  	[dreg:$0x4] =	wrdreg $0xC0  }
0xab: {  	_ =	task [dreg:s6], $0x5FFFF  }
0xac: {  	[dreg:$0x1] =	wrdreg $0xFFFFFFFF  }
0xad: {  	[dreg:$0x0] =	wrdreg $0x60  }
0xae: {  	[dreg:$0x2] =	wrdreg s24  }
0xaf: {  	[dreg:$0x3] =	wrdreg $0xB5000  }
0xb0: {  	[dreg:$0x4] =	wrdreg $0x9  }
0xb1: {  	_ =	task.clear_ibuf [dreg:s6], $0x5FFFF;
	_ =	strace $0x9000004C  }
0xb2: {  	s29 =	simm.s32 $0x9;
	_ =	strace $0x8000004E  }
0xb3: {  	_ =	swait.ge [sflag:s29], $0x1  }
0xb4: {  	[sflag:s29] =	ssyncadd.s32 $0xFFFFFFFF  }
0xb5: {  	_ =	strace $0x9000004E  }
0xb6: {  	_ =	sfence  }
0xb7: {  	s30 =	sld [smem:$0x0];
	_ =	sdelay $0x2  }
0xb8: {  	s31 =	sshll.u32 s1, $0xD;
	s1 =	sshrl.u32 s1, $0x2  }
0xb9: {  	s3 =	sand.u32 $0x4000, s31;
	s1 =	sadd.s32 s1, s30  }
0xba: {  	s0 =	sor.u32 s3, s0;
	s1 =	sshll.u32 s1, $0x11  }
0xbb: {  	s0 =	sor.u32 s1, s0  }
0xbc: {  	s0 =	sadd.s32 $0x8F2B, s0  }
0xbd: {  	[sflag:s0] =	ssyncadd.remote.s32 $0x1  }
0xbe: {  	_ =	sfence.sel $0xFFFF  }
0xbf: {  	[dreg:$0x0] =	wrdreg $0xFFFFFFFF;
	(pc) =	sbr.abs _section_cstart, $3  }
0xc0: {  	[dreg:$0x1] =	wrdreg $0xFFFFFFFF  }
0xc1: {  	_ =	task.clear_ibuf [dreg:s6], $0x2FFFF;
	_ =	strace $0x9FFFFFFF  }
0xc2: {  	(tm) =	ssettm $0x7FFFFFFF  }
0xc3: {  	_ =	shalt  }
tec
execute0_lowered:
.L_overlay_start_1:
0x0: {  	(tag) =	ssettag $0x1  }
0x1: {  	s0 =	srdreg.scid;
	s1 =	rddreg [dreg:$0x0]  }
0x2: {  	s9 =	stileid.u32;
	s2 =	rddreg [dreg:$0x1];
	s7 =	simm.s32 $0x0  }
0x3: {  	s30 =	simm.s32 $0xB000;
	s31 =	simm.s32 $0x3;
	s6 =	smul.u32 $0x5000, s9  }
0x4: {  	s0 =	sand.u32 $0x1, s0;
	s4 =	sshll.u32 s9, $0x1;
	s13 =	smul.u32 $0x14000, s9  }
0x5: {  	[smem:$0x7FF] =	sst s7;
	s15 =	sadd.s32 $0xC500, s1;
	s3 =	smul.u32 $0x50000, s0  }
0x6: {  	s5 =	sor.u32 s0, s4;
	_ =	strace $0x8000004D;
	s4 =	sadd.s32 $0x16600, s1  }
0x7: {  	s0 =	ssub.s32 $0x2, s0;
	[dreg:$0x5] =	wrdreg s15;
	s12 =	smul.u32 $0x500, s5  }
0x8: {  	s8 =	sshrl.u32 s0, $0x1;
	p0 =	seq.s32 s5, $0x1F;
	s5 =	simm.s32 $0x14  }
0x9: {  	s17 =	sshrl.u32 s13, $0x2;
	s18 =	sadd.s32 s6, s2;
	s0 =	ssub.s32 s0, s8  }
0xa: {  	s3 =	sadd.s32 s6, s3;
	s7 =	sadd.s32 s12, s1;
	s0 =	smax.u32 s0, $0x1  }
0xb: {  	s3 =	sshrl.u32 s3, $0x3;
	s14 =	sadd.s32 $0x2A00, s7;
	[dreg:$0x8] =	wrdreg s0  }
0xc: {  	s12 =	sadd.s32 s17, s2;
	s7 =	sadd.s32 $0xC800, s7;
	[dreg:$0x3] =	wrdreg s14  }
0xd: {  	s3 =	sadd.s32 s3, s1;
	s1 =	sadd.s32 $0x16300, s1;
	[dreg:$0x4] =	wrdreg s7  }
0xe: {  	s5 =	simm.s32 @!p0 $0x50;
	s21 =	sadd.s32 $0x500, s12;
	[dreg:$0x6] =	wrdreg s1  }
0xf: {  	s6 =	simm.s32 $0x0;
	s22 =	sadd.s32 $0xA00, s12;
	[dreg:$0x9] =	wrdreg s21  }
0x10: {  	s23 =	sadd.s32 $0xF00, s12;
	s24 =	sadd.s32 $0x1400, s12;
	[dreg:$0xa] =	wrdreg s22  }
0x11: {  	s25 =	sadd.s32 $0x1900, s12;
	s26 =	sadd.s32 $0x1E00, s12;
	[dreg:$0xb] =	wrdreg s23  }
0x12: {  	s19 =	sadd.s32 $0x2300, s12;
	s20 =	sadd.s32 $0x2800, s12;
	[dreg:$0xc] =	wrdreg s24  }
0x13: {  	s28 =	sadd.s32 $0x4600, s12;
	s29 =	sadd.s32 $0x4B00, s12;
	[dreg:$0xd] =	wrdreg s25  }
0x14: {  	s0 =	simm.s32 $0x1;
	s16 =	sadd.s32 $0x20600, s3;
	[dreg:$0xe] =	wrdreg s26  }
0x15: {  	s21 =	sadd.s32 $0x2D00, s12;
	s22 =	sadd.s32 $0x3200, s12;
	s23 =	sadd.s32 $0x3700, s12  }
0x16: {  	s24 =	sadd.s32 $0x3C00, s12;
	s25 =	sshrl.u32 s18, $0x3;
	s26 =	sadd.s32 $0x4100, s12  }
0x17: {  	v0 =	vimm.f32 $0.0e+00;
	s1 =	simm.s32 $0x80;
	s3 =	simm.s32 $0x2;
	[dreg:$0x7] =	wrdreg s16  }
.LBB2_1:
0x18: {  	s8 =	simm.s32 $0x0  }
0x19: {  	s7 =	sand.u32 $0x1F80, s8  }
0x1a: {  	s8 =	sand.u32 $0x10, s8;
	s9 =	sshrl.u32 s7, $0x2  }
0x1b: {  	s7 =	simm.s32 $0x40;
	s9 =	sor.u32 s8, s9;
	s8 =	simm.s32 $0x0  }
.LBB2_2:
0x1c: {  	p1 =	sne.s32 s7, $0x13C0  }
0x1d: {  	[tilespmem:s9+$0xB000] =	vst v0;
	s8 =	sadd.s32 $0x10, s8;
	s9 =	smov.u32 s7;
	s7 =	sadd.s32 $0x40, s7  }
.Ltmp0:
0x1e: {  	(pc) =	sbr.rel @p1 .LBB2_2-.Ltmp0, $4  }
0x1f: {  	_ = 	snop  }
0x20: {  	s9 =	sand.u32 $0x1F80, s9  }
0x21: {  	s10 =	sand.u32 $0x10, s8;
	s9 =	sshrl.u32 s9, $0x2  }
0x22: {  	s9 =	sor.u32 s10, s9  }
0x23: {  	[tilespmem:s9+$0xB000] =	vst v0  }
0x24: {  	[spmem:s12] =	stream.linear.scatter [tilespmem:s30], [sflag:$0x3], $0x500, $0x38;
	[tilespmem:$0x10500] =	vst v63  }
0x25: {  	_ =	swait.ge [sflag:s31], $0x500  }
0x26: {  	[sflag:s31] =	ssyncset.done $0x0  }
0x27: {  	s7 =	rddreg [dreg:$0x9];
	[sflag:s31] =	ssyncadd.s32 $0xFFFFFB00  }
0x28: {  	[spmem:s7] =	stream.linear.scatter [tilespmem:s30], [sflag:$0x3], $0x500, $0x38;
	[tilespmem:$0x10500] =	vst v63  }
0x29: {  	_ =	swait.ge [sflag:s31], $0x500  }
0x2a: {  	[sflag:s31] =	ssyncset.done $0x0  }
0x2b: {  	s13 =	rddreg [dreg:$0xa];
	[sflag:s31] =	ssyncadd.s32 $0xFFFFFB00  }
0x2c: {  	[spmem:s13] =	stream.linear.scatter [tilespmem:s30], [sflag:$0x3], $0x500, $0x38;
	[tilespmem:$0x10500] =	vst v63  }
0x2d: {  	_ =	swait.ge [sflag:s31], $0x500  }
0x2e: {  	[sflag:s31] =	ssyncset.done $0x0  }
0x2f: {  	s14 =	rddreg [dreg:$0xb];
	[sflag:s31] =	ssyncadd.s32 $0xFFFFFB00  }
0x30: {  	[spmem:s14] =	stream.linear.scatter [tilespmem:s30], [sflag:$0x3], $0x500, $0x38;
	[tilespmem:$0x10500] =	vst v63  }
0x31: {  	_ =	swait.ge [sflag:s31], $0x500  }
0x32: {  	[sflag:s31] =	ssyncset.done $0x0  }
0x33: {  	s15 =	rddreg [dreg:$0xc];
	[sflag:s31] =	ssyncadd.s32 $0xFFFFFB00  }
0x34: {  	[spmem:s15] =	stream.linear.scatter [tilespmem:s30], [sflag:$0x3], $0x500, $0x38;
	[tilespmem:$0x10500] =	vst v63  }
0x35: {  	_ =	swait.ge [sflag:s31], $0x500  }
0x36: {  	[sflag:s31] =	ssyncset.done $0x0  }
0x37: {  	s16 =	rddreg [dreg:$0xd];
	[sflag:s31] =	ssyncadd.s32 $0xFFFFFB00  }
0x38: {  	[spmem:s16] =	stream.linear.scatter [tilespmem:s30], [sflag:$0x3], $0x500, $0x38;
	[tilespmem:$0x10500] =	vst v63  }
0x39: {  	_ =	swait.ge [sflag:s31], $0x500  }
0x3a: {  	[sflag:s31] =	ssyncset.done $0x0  }
0x3b: {  	s17 =	rddreg [dreg:$0xe];
	[sflag:s31] =	ssyncadd.s32 $0xFFFFFB00  }
0x3c: {  	[spmem:s17] =	stream.linear.scatter [tilespmem:s30], [sflag:$0x3], $0x500, $0x38;
	[tilespmem:$0x10500] =	vst v63  }
0x3d: {  	_ =	swait.ge [sflag:s31], $0x500  }
0x3e: {  	[sflag:s31] =	ssyncset.done $0x0  }
0x3f: {  	[sflag:s31] =	ssyncadd.s32 $0xFFFFFB00  }
0x40: {  	[spmem:s19] =	stream.linear.scatter [tilespmem:s30], [sflag:$0x3], $0x500, $0x38;
	[tilespmem:$0x10500] =	vst v63  }
0x41: {  	_ =	swait.ge [sflag:s31], $0x500  }
0x42: {  	[sflag:s31] =	ssyncset.done $0x0  }
0x43: {  	[sflag:s31] =	ssyncadd.s32 $0xFFFFFB00  }
0x44: {  	[spmem:s20] =	stream.linear.scatter [tilespmem:s30], [sflag:$0x3], $0x500, $0x38;
	[tilespmem:$0x10500] =	vst v63  }
0x45: {  	_ =	swait.ge [sflag:s31], $0x500  }
0x46: {  	[sflag:s31] =	ssyncset.done $0x0  }
0x47: {  	[sflag:s31] =	ssyncadd.s32 $0xFFFFFB00  }
0x48: {  	[spmem:s21] =	stream.linear.scatter [tilespmem:s30], [sflag:$0x3], $0x500, $0x38;
	[tilespmem:$0x10500] =	vst v63  }
0x49: {  	_ =	swait.ge [sflag:s31], $0x500  }
0x4a: {  	[sflag:s31] =	ssyncset.done $0x0  }
0x4b: {  	[sflag:s31] =	ssyncadd.s32 $0xFFFFFB00  }
0x4c: {  	[spmem:s22] =	stream.linear.scatter [tilespmem:s30], [sflag:$0x3], $0x500, $0x38;
	[tilespmem:$0x10500] =	vst v63  }
0x4d: {  	_ =	swait.ge [sflag:s31], $0x500  }
0x4e: {  	[sflag:s31] =	ssyncset.done $0x0  }
0x4f: {  	[sflag:s31] =	ssyncadd.s32 $0xFFFFFB00  }
0x50: {  	[spmem:s23] =	stream.linear.scatter [tilespmem:s30], [sflag:$0x3], $0x500, $0x38;
	[tilespmem:$0x10500] =	vst v63  }
0x51: {  	_ =	swait.ge [sflag:s31], $0x500  }
0x52: {  	[sflag:s31] =	ssyncset.done $0x0  }
0x53: {  	[sflag:s31] =	ssyncadd.s32 $0xFFFFFB00  }
0x54: {  	[spmem:s24] =	stream.linear.scatter [tilespmem:s30], [sflag:$0x3], $0x500, $0x38;
	[tilespmem:$0x10500] =	vst v63  }
0x55: {  	_ =	swait.ge [sflag:s31], $0x500  }
0x56: {  	[sflag:s31] =	ssyncset.done $0x0  }
0x57: {  	[sflag:s31] =	ssyncadd.s32 $0xFFFFFB00  }
0x58: {  	[spmem:s26] =	stream.linear.scatter [tilespmem:s30], [sflag:$0x3], $0x500, $0x38;
	[tilespmem:$0x10500] =	vst v63  }
0x59: {  	_ =	swait.ge [sflag:s31], $0x500  }
0x5a: {  	[sflag:s31] =	ssyncset.done $0x0  }
0x5b: {  	[sflag:s31] =	ssyncadd.s32 $0xFFFFFB00  }
0x5c: {  	[spmem:s28] =	stream.linear.scatter [tilespmem:s30], [sflag:$0x3], $0x500, $0x38;
	[tilespmem:$0x10500] =	vst v63  }
0x5d: {  	_ =	swait.ge [sflag:s31], $0x500  }
0x5e: {  	[sflag:s31] =	ssyncset.done $0x0  }
0x5f: {  	[sflag:s31] =	ssyncadd.s32 $0xFFFFFB00  }
0x60: {  	[spmem:s29] =	stream.linear.scatter [tilespmem:s30], [sflag:$0x3], $0x500, $0x38;
	[tilespmem:$0x10500] =	vst v63  }
0x61: {  	_ =	swait.ge [sflag:s31], $0x500  }
0x62: {  	[sflag:s31] =	ssyncset.done $0x0  }
0x63: {  	s7 =	simm.s32 @p0 $0x0;
	s8 =	rddreg [dreg:$0x5];
	[sflag:s31] =	ssyncadd.s32 $0xFFFFFB00  }
0x64: {  	[tilespmem:s7], [sflag:$0x3] =	stream.linear.gather @p0 [hbm4b:s8+s7], $0xC00, $0x38;
	[tilespmem:$0x10500] =	vst v63  }
0x65: {  	s8 =	simm.s32 @p0 $0x3  }
0x66: {  	_ =	swait.ge @p0 [sflag:s8], $0xC00  }
0x67: {  	[sflag:s8] =	ssyncset.done @p0 $0x0  }
0x68: {  	s9 =	simm.s32 @p0 $0x2800;
	s10 =	rddreg [dreg:$0x6];
	[sflag:s8] =	ssyncadd.s32 @p0 $0xFFFFF400  }
0x69: {  	[tilespmem:s9], [sflag:$0x3] =	stream.linear.gather @p0 [hbm4b:s10+s7], $0xC00, $0x38;
	[tilespmem:$0x10500] =	vst v63  }
0x6a: {  	_ =	swait.ge @p0 [sflag:s8], $0xC00  }
0x6b: {  	[sflag:s8] =	ssyncset.done @p0 $0x0  }
0x6c: {  	s7 =	simm.s32 @!p0 $0x0;
	[sflag:s8] =	ssyncadd.s32 @p0 $0xFFFFF400;
	s8 =	rddreg [dreg:$0x3]  }
0x6d: {  	[tilespmem:s7], [sflag:$0x3] =	stream.linear.gather @!p0 [hbm4b:s8+s7], $0x2800, $0x38;
	[tilespmem:$0x10500] =	vst v63  }
0x6e: {  	s8 =	simm.s32 @!p0 $0x3  }
0x6f: {  	_ =	swait.ge @!p0 [sflag:s8], $0x2800  }
0x70: {  	[sflag:s8] =	ssyncset.done @!p0 $0x0  }
0x71: {  	s9 =	simm.s32 @!p0 $0x2800;
	s10 =	rddreg [dreg:$0x4];
	[sflag:s8] =	ssyncadd.s32 @!p0 $0xFFFFD800  }
0x72: {  	[tilespmem:s9], [sflag:$0x3] =	stream.linear.gather @!p0 [hbm4b:s10+s7], $0x2800, $0x38;
	[tilespmem:$0x10500] =	vst v63  }
0x73: {  	_ =	swait.ge @!p0 [sflag:s8], $0x2800  }
0x74: {  	s18 =	simm.s32 $0x5000;
	s11 =	simm.s32 $0x7000;
	[sflag:s8] =	ssyncset.done @!p0 $0x0  }
0x75: {  	p1 =	por $0x1, $0x1;
	p2 =	sle.u32 s5, $0x4;
	[sflag:s8] =	ssyncadd.s32 @!p0 $0xFFFFD800  }
0x76: {  	s13 =	simm.s32 $0x4;
	s9 =	simm.s32 $0x0;
	[bflag:$0x0] =	sbarrier.arrive $0xFFFF  }
0x77: {  	[tilespmem:s18], [sflag:$0x1] =	stream.indirect.gather [hbm4b:s4+s1], $0x20, s9, s1, $0xb8;
	[tilespmem:$0x10500] =	vst v63  }
0x78: {  	s14 =	simm.s32 $0x180;
	s7 =	smulhi.u32 $0xAAAAAAAB, s13;
	s8 =	simm.s32 $0x6000  }
0x79: {  	[tilespmem:s8], [sflag:$0x1] =	stream.indirect.gather [hbm4b:s4+s1], $0x20, s1, s1, $0xb8;
	[tilespmem:$0x10500] =	vst v63  }
0x7a: {  	s15 =	simm.s32 $0x8000;
	s10 =	simm.s32 $0x100;
	s13 =	smulhi.u32 $0xAAAAAAAB, s9  }
0x7b: {  	[tilespmem:s11], [sflag:$0x1] =	stream.indirect.gather [hbm4b:s4+s1], $0x20, s10, s1, $0xb8;
	[tilespmem:$0x10500] =	vst v63  }
0x7c: {  	s16 =	sshrl.u32 s7, $0x2;
	s7 =	simm.s32 $0x2800;
	s11 =	simm.s32 @!p1 $0x2  }
0x7d: {  	[tilespmem:s15], [sflag:$0x1] =	stream.indirect.gather [hbm4b:s4+s1], $0x20, s14, s1, $0xb8;
	[tilespmem:$0x10500] =	vst v63  }
0x7e: {  	s17 =	smul.u32 $0xFFFE8000, s16;
	s13 =	sshrl.u32 s13, $0x2;
	_ =	swait.ge @!p1 [sflag:s11], $0x1000  }
0x7f: {  	s9 =	simm.s32 $0x6000;
	s18 =	smul.u32 $0xFFFE8000, s13;
	[sflag:s11] =	ssyncset.done @!p1 $0x0  }
0x80: {  	s13 =	simm.s32 @!p2 $0x80;
	[sflag:s11] =	ssyncadd.s32 @!p1 $0xFFFFF000;
	p1 =	sne.s32 s5, $0x1  }
.Ltmp1:
0x81: {  	s8 =	simm.s32 $0x200;
	s10 =	sshra.s32 s17, $0x2;
	(pc) =	sbr.rel @!p1 .LBB2_5-.Ltmp1, $4  }
0x82: {  	s10 =	sadd.s32 $0x9000, s10;
	s14 =	simm.s32 $0x1;
	s11 =	sshra.s32 s18, $0x2  }
0x83: {  	[tilespmem:s10], [sflag:$0x1] =	stream.indirect.gather @!p2 [hbm4b:s4+s13], $0x20, s8, s13, $0xb8;
	[tilespmem:$0x10500] =	vst v63  }
0x84: {  	s10 =	simm.s32 $0x5;
	s15 =	sadd.s32 $0x5000, s11;
	_ =	swait.ge [sflag:s0], $0x1000  }
0x85: {  	s11 =	simm.s32 $0xA000;
	s13 =	simm.s32 $0x2800;
	[sflag:s0] =	ssyncset.done $0x0  }
.LBB2_4:
0x86: {  	[sflag:s0] =	ssyncadd.s32 $0xFFFFF000;
	s13 =	sadd.s32 $0x80, s13;
	s8 =	sadd.s32 $0x80, s8  }
0x87: {  	[spmem:s2] =	stream.indirect.scatter.add.f32 [tilespmem:s15], [sflag:$0x2], $0x20, s7, s1, $0xb8;
	[tilespmem:$0x10500] =	vst v63  }
0x88: {  	s16 =	smov.u32 s9;
	s15 =	smulhi.u32 $0xAAAAAAAB, s10;
	s7 =	smov.u32 s13  }
0x89: {  	p1 =	slt.u32 s14, $0x2;
	s9 =	sadd.s32 $0x1000, s9  }
0x8a: {  	s18 =	smulhi.u32 $0xAAAAAAAB, s14;
	s14 =	sadd.s32 $0x4, s14;
	s15 =	sshrl.u32 s15, $0x2  }
0x8b: {  	s17 =	simm.s32 @!p1 $0x2;
	s10 =	sadd.s32 $0x1, s10;
	s15 =	smul.u32 $0xFFFE8000, s15  }
0x8c: {  	p2 =	sge.u32 s14, s5;
	_ =	swait.ge @!p1 [sflag:s17], $0x1000  }
0x8d: {  	s14 =	sadd.s32 $0xFFFFFFFD, s14;
	s15 =	sshra.s32 s15, $0x2;
	[sflag:s17] =	ssyncset.done @!p1 $0x0  }
0x8e: {  	[sflag:s17] =	ssyncadd.s32 @!p1 $0xFFFFF000;
	p1 =	sne.s32 s14, s5  }
.Ltmp2:
0x8f: {  	s18 =	sshrl.u32 s18, $0x2;
	s15 =	sadd.s32 s15, s11;
	(pc) =	sbr.rel @p1 .LBB2_4-.Ltmp2, $4  }
0x90: {  	s17 =	smul.u32 $0xFFFE8000, s18;
	s18 =	simm.s32 @!p2 $0x80  }
0x91: {  	[tilespmem:s15], [sflag:$0x1] =	stream.indirect.gather @!p2 [hbm4b:s4+s18], $0x20, s8, s18, $0xb8;
	[tilespmem:$0x10500] =	vst v63  }
0x92: {  	s15 =	sshra.s32 s17, $0x2;
	_ =	swait.ge [sflag:s0], $0x1000  }
0x93: {  	s11 =	sadd.s32 $0x1000, s11;
	s15 =	sadd.s32 s15, s16;
	[sflag:s0] =	ssyncset.done $0x0  }
.LBB2_5:
0x94: {  	[sflag:s0] =	ssyncadd.s32 $0xFFFFF000  }
0x95: {  	[spmem:s2] =	stream.indirect.scatter.add.f32 [tilespmem:s15], [sflag:$0x2], $0x20, s7, s1, $0xb8;
	[tilespmem:$0x10500] =	vst v63  }
0x96: {  	_ =	swait.ge [sflag:s3], $0x1000  }
0x97: {  	[sflag:s3] =	ssyncset.done $0x0  }
0x98: {  	[sflag:s3] =	ssyncadd.s32 $0xFFFFF000  }
0x99: {  	_ =	swait.ge [sflag:s3], $0x1000  }
0x9a: {  	[sflag:s3] =	ssyncset.done $0x0  }
0x9b: {  	s17 =	stileid.u32;
	[sflag:s3] =	ssyncadd.s32 $0xFFFFF000  }
0x9c: {  	s7 =	sshll.u32 s17, $0x6;
	[bflag:$0x0] =	sbarrier.arrive $0xFFFF  }
0x9d: {  	s7 =	sor.u32 $0x1C03, s7;
	s8 =	rddreg [dreg:$0x7]  }
0x9e: {  	[hbm:s8], [sflag:s7] =	dma.local [spmem:s25], $0xA00  }
0x9f: {  	_ =	swait.ge [sflag:s31], $0xA00  }
0xa0: {  	s6 =	sadd.s32 $0x1, s6;
	s18 =	rddreg [dreg:$0x8]  }
0xa1: {  	p1 =	sne.s32 s6, s18  }
.Ltmp3:
0xa2: {  	_ = 	snop;
	(pc) =	sbr.rel @p1 .LBB2_1-.Ltmp3, $3  }
0xa3: {  	_ =	sdelay $0x1  }
0xa4: {  	[sflag:s31] =	ssyncset.done $0x0  }
0xa5: {  	[sflag:s31] =	ssyncadd.s32 $0xFFFFF600  }
0xa6: {  	_ =	sfence.sel $0x180000  }
0xa7: {  	[bflag:$0x0] =	sbarrier.arrive $0xFFFF  }
0xa8: {  	_ =	strace $0x9000004D  }
0xa9: {  	s0 =	stileid.u32;
	[bflag:$0x2] =	sbarrier.arrive $0xFFFF  }
0xaa: {  	p0 =	sne.s32 s0, $0x0;
	s0 =	rddreg [dreg:$0x2]  }
0xab: {  	s0 =	sadd.s32 @!p0 $0x100000, s0  }
0xac: {  	[sflag:s0] =	ssyncadd.tile.s32 @!p0 $0x1;
	_ =	shalt  }
.Lfunc_end2:
_tile_overlayer_lowered:
.L_overlay_start_2:
0xad: {  	(tag) =	ssettag $0x2  }
0xae: {  	s0 =	rddreg [dreg:$0x0];
	s2 =	stileid.u32  }
0xaf: {  	s1 =	rddreg [dreg:$0x1];
	p0 =	sne.s32 s2, $0x0  }
0xb0: {  	s3 =	rddreg [dreg:$0x2];
	[bflag:$0x3] =	sbarrier.arrive $0xFFFF;
	s2 =	simm.s32 @!p0 $0x1C03  }
0xb1: {  	[timem:s3], [sflag:s2] =	dma.local @!p0 [hbm:s0], s1  }
0xb2: {  	s0 =	simm.s32 @!p0 $0x3  }
0xb3: {  	_ =	swait.ge @!p0 [sflag:s0], s1  }
0xb4: {  	s1 =	ssub.s32 @!p0 $0x0, s1;
	[sflag:s0] =	ssyncset.done @!p0 $0x0  }
0xb5: {  	[sflag:s0] =	ssyncadd.s32 @!p0 s1  }
0xb6: {  	[bflag:$0x3] =	sbarrier.arrive $0xFFFF  }
0xb7: {  	_ =	shalt  }

// kernel: kernel.9.cloned.1.call-start
scs
__scs_entry_jumppad:
0x0: {  	(pc) =	sbr.rel $0x88, $3  }
0x1: {  	(tag) =	ssettag $0x0;
	lr =	simm.s32 $0x1  }
0x2: {  	[smem:$0x3F98] =	sst lr;
	_ =	strace $0xD0000000  }
0x3: {  	_ = 	snop  }
0x4: {  	_ = 	snop  }
0x5: {  	_ = 	snop  }
0x6: {  	_ = 	snop  }
0x7: {  	_ = 	snop  }
__scs_overlays_trampoline_lowered:
0x8: {  	[smem:$0x3FA7] =	sst s0  }
0x9: {  	[smem:$0x3FA8] =	sst s1  }
0xa: {  	[smem:$0x3FA9] =	sst s2  }
0xb: {  	[smem:$0x3FAA] =	sst s3  }
0xc: {  	[smem:$0x3FAB] =	sst s4  }
0xd: {  	[smem:$0x3FAC] =	sst s5  }
0xe: {  	[smem:$0x3FAD] =	sst s6  }
0xf: {  	[smem:$0x3FAE] =	sst s7  }
0x10: {  	[smem:$0x3FAF] =	sst s8  }
0x11: {  	[smem:$0x3FB0] =	sst s9;
	s0 =	simm.s32 @!p0 $0x0  }
0x12: {  	s1 =	sld [smem:$0x3F96];
	s0 =	simm.s32 @p0 $0x1  }
0x13: {  	[smem:$0x3FB1] =	sst s0;
	s0 =	simm.s32 @!p1 $0x0  }
0x14: {  	s2 =	sld [smem:$0x3F95];
	s0 =	simm.s32 @p1 $0x1  }
0x15: {  	[smem:$0x3FB2] =	sst s0;
	s0 =	simm.s32 @!p2 $0x0  }
0x16: {  	s3 =	sld [smem:$0x3FDB];
	s0 =	simm.s32 @p2 $0x1  }
0x17: {  	s4 =	simm.s32 $0x1BF5;
	[smem:$0x3FB4] =	sst s0  }
0x18: {  	s0 =	sld [smem:$0x3F97];
	_ =	swait.ge [sflag:s4], $0x0  }
0x19: {  	s7 =	sld [smem:$0x3F98]  }
0x1a: {  	s8 =	sadd.s32 $0xFFFFE003, lr  }
0x1b: {  	s9 =	sadd.s32 $0xFFFFFEF7, lr;
	s5 =	simm.s32 $0xFFFFFFFF;
	p2 =	slt.u32 s8, $0xFFFFF086  }
0x1c: {  	p1 =	slt.u32 s9, $0xF7A;
	s5 =	simm.s32 @!p2 $0x0  }
0x1d: {  	s5 =	simm.s32 @p1 $0x1;
	p0 =	seq.s32 s7, s2  }
0x1e: {  	s7 =	smul.u32 @!p0 $0xF7A, s2;
	p2 =	seq.s32 @!p0 s5, $0x0  }
0x1f: {  	s9 =	smul.u32 $0xF7A, s1;
	s8 =	simm.s32 @!p0 $0x1BF5;
	p2 =	por !p2, p0  }
0x20: {  	[sflag:s8] =	ssyncset.s32 @!p0 $0xFFFFF086;
	s6 =	sadd.s32 @!p0 s3, s7;
	s7 =	simm.s32 @!p0 $0x108  }
0x21: {  	s3 =	sadd.s32 s3, s9;
	s6 =	sadd.s32 @!p0 $0x88, s6;
	s7 =	simm.s32 @p2 $0x1082  }
0x22: {  	[simem:s7], [sflag:s8] =	dma.local @!p0 [hbm:s6], $0xF7A  }
0x23: {  	s9 =	sor.u32 $0xD0000000, s2;
	s6 =	simm.s32 $0x108;
	_ =	swait.ge @!p0 [sflag:s8], $0x0  }
0x24: {  	s3 =	sadd.s32 $0x88, s3;
	s6 =	simm.s32 @!p1 $0x1082;
	[sflag:s4] =	ssyncset.s32 $0xFFFFF086  }
0x25: {  	[simem:s6], [sflag:s4] =	dma.local [hbm:s3], $0xF7A  }
0x26: {  	[smem:$0x3F98] =	sst s1;
	(tag) =	ssettag s2;
	_ =	strace s9  }
0x27: {  	s1 =	sld [smem:$0x3FA8]  }
0x28: {  	s2 =	sld [smem:$0x3FA9]  }
0x29: {  	s4 =	sld [smem:$0x3FAB]  }
0x2a: {  	p0 =	seq.s32 s5, $0x0;
	s5 =	sld [smem:$0x3FAC]  }
0x2b: {  	s6 =	sld [smem:$0x3FAD]  }
0x2c: {  	s7 =	sld [smem:$0x3FAE]  }
0x2d: {  	s3 =	simm.s32 $0x108;
	s8 =	sld [smem:$0x3FAF]  }
0x2e: {  	s3 =	simm.s32 @!p0 $0x1082;
	s9 =	sld [smem:$0x3FB0]  }
0x2f: {  	lr =	sadd.s32 s0, s3;
	s0 =	sld [smem:$0x3FA7]  }
0x30: {  	s3 =	sld [smem:$0x3FAA]  }
0x31: {  	[smem:$0x3FB3] =	sst s10  }
0x32: {  	s10 =	sld [smem:$0x3FB1];
	_ =	sdelay $0x3  }
0x33: {  	p0 =	seq.s32 s10, $0x1;
	s10 =	sld [smem:$0x3FB3];
	_ =	sdelay $0x3  }
0x34: {  	[smem:$0x3FB3] =	sst s10  }
0x35: {  	s10 =	sld [smem:$0x3FB2];
	_ =	sdelay $0x3  }
0x36: {  	p1 =	seq.s32 s10, $0x1;
	s10 =	sld [smem:$0x3FB3];
	_ =	sdelay $0x3  }
0x37: {  	[smem:$0x3FB3] =	sst s10  }
0x38: {  	s10 =	sld [smem:$0x3FB4]  }
0x39: {  	_ = 	snop;
	(pc) =	sbr.ind lr, $3  }
0x3a: {  	_ = 	snop  }
0x3b: {  	_ = 	snop  }
0x3c: {  	p2 =	seq.s32 s10, $0x1;
	s10 =	sld [smem:$0x3FB3]  }
0x3d: {  	_ =	shalt  }
0x3e: {  	_ =	shalt  }
0x3f: {  	_ =	shalt  }
0x40: {  	_ =	shalt  }
0x41: {  	_ =	shalt  }
0x42: {  	_ =	shalt  }
0x43: {  	_ =	shalt  }
0x44: {  	_ =	shalt  }
0x45: {  	_ =	shalt  }
0x46: {  	_ =	shalt  }
0x47: {  	_ =	shalt  }
0x48: {  	_ =	shalt  }
0x49: {  	_ =	shalt  }
0x4a: {  	_ =	shalt  }
0x4b: {  	_ =	shalt  }
0x4c: {  	_ =	shalt  }
0x4d: {  	_ =	shalt  }
0x4e: {  	_ =	shalt  }
0x4f: {  	_ =	shalt  }
0x50: {  	_ =	shalt  }
0x51: {  	_ =	shalt  }
0x52: {  	_ =	shalt  }
0x53: {  	_ =	shalt  }
0x54: {  	_ =	shalt  }
0x55: {  	_ =	shalt  }
0x56: {  	_ =	shalt  }
0x57: {  	_ =	shalt  }
0x58: {  	_ =	shalt  }
0x59: {  	_ =	shalt  }
0x5a: {  	_ =	shalt  }
0x5b: {  	_ =	shalt  }
0x5c: {  	_ =	shalt  }
0x5d: {  	_ =	shalt  }
0x5e: {  	_ =	shalt  }
0x5f: {  	_ =	shalt  }
0x60: {  	_ =	shalt  }
0x61: {  	_ =	shalt  }
0x62: {  	_ =	shalt  }
0x63: {  	_ =	shalt  }
0x64: {  	_ =	shalt  }
0x65: {  	_ =	shalt  }
0x66: {  	_ =	shalt  }
0x67: {  	_ =	shalt  }
0x68: {  	_ =	shalt  }
0x69: {  	_ =	shalt  }
0x6a: {  	_ =	shalt  }
0x6b: {  	_ =	shalt  }
0x6c: {  	_ =	shalt  }
0x6d: {  	_ =	shalt  }
0x6e: {  	_ =	shalt  }
0x6f: {  	_ =	shalt  }
0x70: {  	_ =	shalt  }
0x71: {  	_ =	shalt  }
0x72: {  	_ =	shalt  }
0x73: {  	_ =	shalt  }
0x74: {  	_ =	shalt  }
0x75: {  	_ =	shalt  }
0x76: {  	_ =	shalt  }
0x77: {  	_ =	shalt  }
0x78: {  	_ =	shalt  }
0x79: {  	_ =	shalt  }
0x7a: {  	_ =	shalt  }
0x7b: {  	_ =	shalt  }
0x7c: {  	_ =	shalt  }
0x7d: {  	_ =	shalt  }
0x7e: {  	_ =	shalt  }
0x7f: {  	_ =	shalt  }
0x80: {  	_ =	shalt  }
0x81: {  	_ =	shalt  }
0x82: {  	_ =	shalt  }
0x83: {  	_ =	shalt  }
0x84: {  	_ =	shalt  }
0x85: {  	_ =	shalt  }
0x86: {  	_ =	shalt  }
0x87: {  	_ =	shalt  }
.Lfunc_end0:
.L_simem_size_0:
called_computation_lowered:
.L_overlay_start_0:
0x88: {  	s2 =	sld [smem:$0x3FD9]  }
0x89: {  	s3 =	sld [smem:$0x3FFE];
	_ =	sdelay $0x1  }
0x8a: {  	s1 =	srdreg.scid  }
0x8b: {  	s0 =	sand.u32 $0x1, s1  }
0x8c: {  	s16 =	sshll.u32 s0, $0xA;
	s2 =	sadd.s32 s3, s2  }
0x8d: {  	s2 =	sadd.s32 s2, s16  }
0x8e: {  	[smem:$0x3FBF] =	sst s2  }
0x8f: {  	_ = 	snop  }
0x90: {  	(tm) =	ssettm $0x1  }
0x91: {  	s17 =	sld [smem:$0x3FFB];
	_ =	sdelay $0x3  }
0x92: {  	_ =	strace s17  }
0x93: {  	s2 =	sld [smem:$0x3FFC];
	_ =	sdelay $0x3  }
0x94: {  	_ =	strace s2  }
0x95: {  	s2 =	sld [smem:$0x3FFD];
	_ =	sdelay $0x3  }
0x96: {  	_ =	strace s2  }
0x97: {  	_ =	strace $0x8FFFFFFF  }
0x98: {  	s18 =	sld [smem:$0x3FDB];
	_ =	sdelay $0x1  }
0x99: {  	s19 =	simm.s32 $_scs_section_size  }
0x9a: {  	s4 =	simm.s32 $_size__tile_overlayer_lowered;
	s5 =	simm.s32 $_tile_overlayer_lowered  }
0x9b: {  	s22 =	simm.s32 $0x1BFF;
	s21 =	sshll.u32 s5, $0x1;
	s2 =	sadd.s32 s19, s18  }
0x9c: {  	s6 =	simm.s32 $0x0;
	s20 =	sshll.u32 s4, $0x1;
	s4 =	sadd.s32 s21, s2  }
0x9d: {  	[timem:s6], [sflag:s22] =	dma.local [hbm:s4], s20  }
0x9e: {  	_ =	swait.ge [sflag:s22], s20  }
0x9f: {  	s3 =	ssub.s32 $0x0, s20;
	[sflag:s22] =	ssyncset.done $0x0  }
0xa0: {  	[sflag:s22] =	ssyncadd.s32 s3;
	_ =	sdelay $0x1  }
0xa1: {  	s23 =	simm.s32 $0x1B8B  }
0xa2: {  	_ =	swait.ge [sflag:s23], $0x1  }
0xa3: {  	[sflag:s23] =	ssyncset.done $0x0  }
0xa4: {  	s25 =	simm.s32 $0x1B8E;
	s24 =	sld [smem:$0x3FFE];
	[sflag:s23] =	ssyncadd.s32 $0xFFFFFFFF  }
0xa5: {  	s26 =	simm.s32 $execute0_lowered;
	[smem:$0x3FD2] =	sst s25  }
0xa6: {  	s4 =	sshll.u32 s26, $0x1;
	_ =	strace $0x80000046;
	[dreg:$0x1] =	wrdreg $0xFFFFFFFF  }
0xa7: {  	s28 =	simm.s32 $_size_execute0_lowered;
	s2 =	sadd.s32 s2, s4;
	[dreg:$0x0] =	wrdreg $0x0  }
0xa8: {  	s4 =	sshll.u32 s28, $0x1;
	[dreg:$0x2] =	wrdreg s2  }
0xa9: {  	[dreg:$0x3] =	wrdreg s4  }
0xaa: {  	[dreg:$0x4] =	wrdreg $0xC0  }
0xab: {  	_ =	task [dreg:s6], $0x5FFFF  }
0xac: {  	[dreg:$0x1] =	wrdreg $0xFFFFFFFF  }
0xad: {  	[dreg:$0x0] =	wrdreg $0x60  }
0xae: {  	[dreg:$0x2] =	wrdreg s24  }
0xaf: {  	[dreg:$0x3] =	wrdreg $0x3D000  }
0xb0: {  	[dreg:$0x4] =	wrdreg $0x9  }
0xb1: {  	_ =	task.clear_ibuf [dreg:s6], $0x5FFFF;
	_ =	strace $0x90000046  }
0xb2: {  	s29 =	simm.s32 $0x9;
	_ =	strace $0x80000048  }
0xb3: {  	_ =	swait.ge [sflag:s29], $0x1  }
0xb4: {  	[sflag:s29] =	ssyncadd.s32 $0xFFFFFFFF  }
0xb5: {  	_ =	strace $0x90000048  }
0xb6: {  	_ =	sfence  }
0xb7: {  	s30 =	sld [smem:$0x0];
	_ =	sdelay $0x2  }
0xb8: {  	s31 =	sshll.u32 s1, $0xD;
	s1 =	sshrl.u32 s1, $0x2  }
0xb9: {  	s3 =	sand.u32 $0x4000, s31;
	s1 =	sadd.s32 s1, s30  }
0xba: {  	s0 =	sor.u32 s3, s0;
	s1 =	sshll.u32 s1, $0x11  }
0xbb: {  	s0 =	sor.u32 s1, s0  }
0xbc: {  	s0 =	sadd.s32 $0x8F2B, s0  }
0xbd: {  	[sflag:s0] =	ssyncadd.remote.s32 $0x1  }
0xbe: {  	_ =	sfence.sel $0xFFFF  }
0xbf: {  	[dreg:$0x0] =	wrdreg $0xFFFFFFFF;
	(pc) =	sbr.abs _section_cstart, $3  }
0xc0: {  	[dreg:$0x1] =	wrdreg $0xFFFFFFFF  }
0xc1: {  	_ =	task.clear_ibuf [dreg:s6], $0x2FFFF;
	_ =	strace $0x9FFFFFFF  }
0xc2: {  	(tm) =	ssettm $0x7FFFFFFF  }
0xc3: {  	_ =	shalt  }
tec
execute0_lowered:
.L_overlay_start_1:
0x0: {  	(tag) =	ssettag $0x1  }
0x1: {  	s0 =	srdreg.scid;
	s1 =	rddreg [dreg:$0x0]  }
0x2: {  	s8 =	stileid.u32;
	s2 =	rddreg [dreg:$0x1]  }
0x3: {  	s6 =	simm.s32 $0x0;
	s28 =	simm.s32 $0x2;
	s29 =	simm.s32 $0x80  }
0x4: {  	s30 =	simm.s32 $0x2800;
	s0 =	sand.u32 $0x1, s0;
	s5 =	smul.u32 $0x5000, s8  }
0x5: {  	s4 =	sshll.u32 s8, $0x1;
	[smem:$0x7FF] =	sst s6;
	s8 =	smul.u32 $0x14000, s8  }
0x6: {  	s3 =	smul.u32 $0x50000, s0;
	s4 =	sor.u32 s0, s4;
	s0 =	ssub.s32 $0x2, s0  }
0x7: {  	_ =	strace $0x80000047;
	s25 =	smul.u32 $0x500, s4;
	s7 =	sshrl.u32 s0, $0x1  }
0x8: {  	p0 =	seq.s32 s4, $0x1F;
	s4 =	simm.s32 $0x10;
	s26 =	sshrl.u32 s8, $0x2  }
0x9: {  	s31 =	sadd.s32 s5, s2;
	s3 =	sadd.s32 s5, s3;
	s0 =	ssub.s32 s0, s7  }
0xa: {  	s4 =	simm.s32 @!p0 $0x4C;
	s9 =	sadd.s32 s26, s2;
	s26 =	simm.s32 $0x3800  }
0xb: {  	s3 =	sshrl.u32 s3, $0x3;
	s6 =	sadd.s32 s25, s1;
	s8 =	smax.u32 s0, $0x1  }
0xc: {  	s10 =	sadd.s32 $0x500, s9;
	s11 =	sadd.s32 $0xA00, s9;
	s12 =	sadd.s32 $0xF00, s9  }
0xd: {  	s13 =	sadd.s32 $0x1400, s9;
	s14 =	sadd.s32 $0x1900, s9;
	s15 =	sadd.s32 $0x1E00, s9  }
0xe: {  	s16 =	sadd.s32 $0x2300, s9;
	s17 =	sadd.s32 $0x2800, s9;
	s18 =	sadd.s32 $0x2D00, s9  }
0xf: {  	s19 =	sadd.s32 $0x3200, s9;
	s20 =	sadd.s32 $0x3700, s9;
	s21 =	sadd.s32 $0x3C00, s9  }
0x10: {  	s22 =	sadd.s32 $0x4100, s9;
	s23 =	sadd.s32 $0x4600, s9;
	s24 =	sadd.s32 $0x4B00, s9  }
0x11: {  	s25 =	sshrl.u32 s31, $0x3;
	s0 =	simm.s32 $0x0;
	s6 =	sadd.s32 $0xC800, s6  }
0x12: {  	s3 =	sadd.s32 s3, s1;
	s1 =	sadd.s32 $0x16300, s1;
	[dreg:$0x3] =	wrdreg s6  }
0x13: {  	v0 =	vimm.f32 $1.000000000e+00;
	v1 =	vimm.f32 $0.0e+00;
	[dreg:$0x4] =	wrdreg s1;
	s7 =	sadd.s32 $0x16600, s3;
	s3 =	simm.s32 $0x1  }
.LBB2_1:
0x14: {  	s1 =	simm.s32 $0x0;
	s31 =	simm.s32 $0x0  }
.LBB2_2:
0x15: {  	p1 =	sne.s32 s31, $0x3FC0  }
.Ltmp0:
0x16: {  	_ = 	snop;
	(pc) =	sbr.rel @p1 .LBB2_2-.Ltmp0, $4  }
0x17: {  	s5 =	sand.u32 $0x3F80, s31  }
0x18: {  	s6 =	sand.u32 $0x10, s1;
	s5 =	sshrl.u32 s5, $0x2  }
0x19: {  	s5 =	sor.u32 s6, s5  }
0x1a: {  	s1 =	sadd.s32 $0x10, s1;
	s31 =	sadd.s32 $0x40, s31;
	[tilespmem:s5+$0x2800] =	vst v0  }
0x1b: {  	s31 =	simm.s32 $0x0  }
0x1c: {  	s1 =	sand.u32 $0x1F80, s31  }
0x1d: {  	s5 =	sand.u32 $0x10, s31;
	s6 =	sshrl.u32 s1, $0x2  }
0x1e: {  	s1 =	simm.s32 $0x40;
	s5 =	sor.u32 s5, s6  }
.LBB2_4:
0x1f: {  	p1 =	sne.s32 s1, $0x13C0  }
0x20: {  	[tilespmem:s5+$0x3800] =	vst v1;
	s31 =	sadd.s32 $0x10, s31;
	s5 =	smov.u32 s1;
	s1 =	sadd.s32 $0x40, s1  }
.Ltmp1:
0x21: {  	(pc) =	sbr.rel @p1 .LBB2_4-.Ltmp1, $4  }
0x22: {  	_ = 	snop  }
0x23: {  	s5 =	sand.u32 $0x1F80, s5  }
0x24: {  	s6 =	sand.u32 $0x10, s31;
	s5 =	sshrl.u32 s5, $0x2  }
0x25: {  	s5 =	sor.u32 s6, s5  }
0x26: {  	[tilespmem:s5+$0x3800] =	vst v1  }
0x27: {  	[spmem:s9] =	stream.linear.scatter [tilespmem:s26], [sflag:$0x2], $0x500, $0x38;
	[tilespmem:$0x8D00] =	vst v63  }
0x28: {  	_ =	swait.ge [sflag:s28], $0x500  }
0x29: {  	[sflag:s28] =	ssyncset.done $0x0  }
0x2a: {  	[sflag:s28] =	ssyncadd.s32 $0xFFFFFB00  }
0x2b: {  	[spmem:s10] =	stream.linear.scatter [tilespmem:s26], [sflag:$0x2], $0x500, $0x38;
	[tilespmem:$0x8D00] =	vst v63  }
0x2c: {  	_ =	swait.ge [sflag:s28], $0x500  }
0x2d: {  	[sflag:s28] =	ssyncset.done $0x0  }
0x2e: {  	[sflag:s28] =	ssyncadd.s32 $0xFFFFFB00  }
0x2f: {  	[spmem:s11] =	stream.linear.scatter [tilespmem:s26], [sflag:$0x2], $0x500, $0x38;
	[tilespmem:$0x8D00] =	vst v63  }
0x30: {  	_ =	swait.ge [sflag:s28], $0x500  }
0x31: {  	[sflag:s28] =	ssyncset.done $0x0  }
0x32: {  	[sflag:s28] =	ssyncadd.s32 $0xFFFFFB00  }
0x33: {  	[spmem:s12] =	stream.linear.scatter [tilespmem:s26], [sflag:$0x2], $0x500, $0x38;
	[tilespmem:$0x8D00] =	vst v63  }
0x34: {  	_ =	swait.ge [sflag:s28], $0x500  }
0x35: {  	[sflag:s28] =	ssyncset.done $0x0  }
0x36: {  	[sflag:s28] =	ssyncadd.s32 $0xFFFFFB00  }
0x37: {  	[spmem:s13] =	stream.linear.scatter [tilespmem:s26], [sflag:$0x2], $0x500, $0x38;
	[tilespmem:$0x8D00] =	vst v63  }
0x38: {  	_ =	swait.ge [sflag:s28], $0x500  }
0x39: {  	[sflag:s28] =	ssyncset.done $0x0  }
0x3a: {  	[sflag:s28] =	ssyncadd.s32 $0xFFFFFB00  }
0x3b: {  	[spmem:s14] =	stream.linear.scatter [tilespmem:s26], [sflag:$0x2], $0x500, $0x38;
	[tilespmem:$0x8D00] =	vst v63  }
0x3c: {  	_ =	swait.ge [sflag:s28], $0x500  }
0x3d: {  	[sflag:s28] =	ssyncset.done $0x0  }
0x3e: {  	[sflag:s28] =	ssyncadd.s32 $0xFFFFFB00  }
0x3f: {  	[spmem:s15] =	stream.linear.scatter [tilespmem:s26], [sflag:$0x2], $0x500, $0x38;
	[tilespmem:$0x8D00] =	vst v63  }
0x40: {  	_ =	swait.ge [sflag:s28], $0x500  }
0x41: {  	[sflag:s28] =	ssyncset.done $0x0  }
0x42: {  	[sflag:s28] =	ssyncadd.s32 $0xFFFFFB00  }
0x43: {  	[spmem:s16] =	stream.linear.scatter [tilespmem:s26], [sflag:$0x2], $0x500, $0x38;
	[tilespmem:$0x8D00] =	vst v63  }
0x44: {  	_ =	swait.ge [sflag:s28], $0x500  }
0x45: {  	[sflag:s28] =	ssyncset.done $0x0  }
0x46: {  	[sflag:s28] =	ssyncadd.s32 $0xFFFFFB00  }
0x47: {  	[spmem:s17] =	stream.linear.scatter [tilespmem:s26], [sflag:$0x2], $0x500, $0x38;
	[tilespmem:$0x8D00] =	vst v63  }
0x48: {  	_ =	swait.ge [sflag:s28], $0x500  }
0x49: {  	[sflag:s28] =	ssyncset.done $0x0  }
0x4a: {  	[sflag:s28] =	ssyncadd.s32 $0xFFFFFB00  }
0x4b: {  	[spmem:s18] =	stream.linear.scatter [tilespmem:s26], [sflag:$0x2], $0x500, $0x38;
	[tilespmem:$0x8D00] =	vst v63  }
0x4c: {  	_ =	swait.ge [sflag:s28], $0x500  }
0x4d: {  	[sflag:s28] =	ssyncset.done $0x0  }
0x4e: {  	[sflag:s28] =	ssyncadd.s32 $0xFFFFFB00  }
0x4f: {  	[spmem:s19] =	stream.linear.scatter [tilespmem:s26], [sflag:$0x2], $0x500, $0x38;
	[tilespmem:$0x8D00] =	vst v63  }
0x50: {  	_ =	swait.ge [sflag:s28], $0x500  }
0x51: {  	[sflag:s28] =	ssyncset.done $0x0  }
0x52: {  	[sflag:s28] =	ssyncadd.s32 $0xFFFFFB00  }
0x53: {  	[spmem:s20] =	stream.linear.scatter [tilespmem:s26], [sflag:$0x2], $0x500, $0x38;
	[tilespmem:$0x8D00] =	vst v63  }
0x54: {  	_ =	swait.ge [sflag:s28], $0x500  }
0x55: {  	[sflag:s28] =	ssyncset.done $0x0  }
0x56: {  	[sflag:s28] =	ssyncadd.s32 $0xFFFFFB00  }
0x57: {  	[spmem:s21] =	stream.linear.scatter [tilespmem:s26], [sflag:$0x2], $0x500, $0x38;
	[tilespmem:$0x8D00] =	vst v63  }
0x58: {  	_ =	swait.ge [sflag:s28], $0x500  }
0x59: {  	[sflag:s28] =	ssyncset.done $0x0  }
0x5a: {  	[sflag:s28] =	ssyncadd.s32 $0xFFFFFB00  }
0x5b: {  	[spmem:s22] =	stream.linear.scatter [tilespmem:s26], [sflag:$0x2], $0x500, $0x38;
	[tilespmem:$0x8D00] =	vst v63  }
0x5c: {  	_ =	swait.ge [sflag:s28], $0x500  }
0x5d: {  	[sflag:s28] =	ssyncset.done $0x0  }
0x5e: {  	[sflag:s28] =	ssyncadd.s32 $0xFFFFFB00  }
0x5f: {  	[spmem:s23] =	stream.linear.scatter [tilespmem:s26], [sflag:$0x2], $0x500, $0x38;
	[tilespmem:$0x8D00] =	vst v63  }
0x60: {  	_ =	swait.ge [sflag:s28], $0x500  }
0x61: {  	[sflag:s28] =	ssyncset.done $0x0  }
0x62: {  	[sflag:s28] =	ssyncadd.s32 $0xFFFFFB00  }
0x63: {  	[spmem:s24] =	stream.linear.scatter [tilespmem:s26], [sflag:$0x2], $0x500, $0x38;
	[tilespmem:$0x8D00] =	vst v63  }
0x64: {  	_ =	swait.ge [sflag:s28], $0x500  }
0x65: {  	[sflag:s28] =	ssyncset.done $0x0  }
0x66: {  	s1 =	simm.s32 @p0 $0x0;
	s5 =	rddreg [dreg:$0x4];
	[sflag:s28] =	ssyncadd.s32 $0xFFFFFB00  }
0x67: {  	[tilespmem:s1], [sflag:$0x2] =	stream.linear.gather @p0 [hbm4b:s5+s1], $0xC00, $0x38;
	[tilespmem:$0x8D00] =	vst v63  }
0x68: {  	s1 =	simm.s32 @p0 $0x2  }
0x69: {  	_ =	swait.ge @p0 [sflag:s1], $0xC00  }
0x6a: {  	[sflag:s1] =	ssyncset.done @p0 $0x0  }
0x6b: {  	s5 =	rddreg [dreg:$0x3];
	[sflag:s1] =	ssyncadd.s32 @p0 $0xFFFFF400;
	s1 =	simm.s32 @!p0 $0x0  }
0x6c: {  	[tilespmem:s1], [sflag:$0x2] =	stream.linear.gather @!p0 [hbm4b:s5+s1], $0x2800, $0x38;
	[tilespmem:$0x8D00] =	vst v63  }
0x6d: {  	s1 =	simm.s32 @!p0 $0x2  }
0x6e: {  	_ =	swait.ge @!p0 [sflag:s1], $0x2800  }
0x6f: {  	[sflag:s1] =	ssyncset.done @!p0 $0x0  }
0x70: {  	[sflag:s1] =	ssyncadd.s32 @!p0 $0xFFFFD800  }
0x71: {  	s6 =	simm.s32 $0x0;
	[bflag:$0x0] =	sbarrier.arrive $0xFFFF  }
0x72: {  	[spmem:s2] =	stream.indirect.scatter.add.f32 [tilespmem:s30], [sflag:$0x1], $0x20, s6, s29, $0xb8;
	[tilespmem:$0x8D00] =	vst v63  }
0x73: {  	_ = 	snop  }
0x74: {  	[spmem:s2] =	stream.indirect.scatter.add.f32 [tilespmem:s30], [sflag:$0x1], $0x20, s29, s29, $0xb8;
	[tilespmem:$0x8D00] =	vst v63  }
0x75: {  	s5 =	simm.s32 $0x100  }
0x76: {  	[spmem:s2] =	stream.indirect.scatter.add.f32 [tilespmem:s30], [sflag:$0x1], $0x20, s5, s29, $0xb8;
	[tilespmem:$0x8D00] =	vst v63  }
0x77: {  	p1 =	sne.s32 s4, $0x1;
	s6 =	simm.s32 $0x180  }
0x78: {  	[spmem:s2] =	stream.indirect.scatter.add.f32 [tilespmem:s30], [sflag:$0x1], $0x20, s6, s29, $0xb8;
	[tilespmem:$0x8D00] =	vst v63  }
.Ltmp2:
0x79: {  	_ = 	snop;
	(pc) =	sbr.rel @!p1 .LBB2_7-.Ltmp2, $4  }
0x7a: {  	_ =	swait.ge [sflag:s3], $0x1000  }
0x7b: {  	[sflag:s3] =	ssyncset.done $0x0  }
0x7c: {  	s31 =	simm.s32 $0x200;
	s1 =	sadd.s32 $0xFFFFFFFF, s4;
	[sflag:s3] =	ssyncadd.s32 $0xFFFFF000  }
0x7d: {  	[spmem:s2] =	stream.indirect.scatter.add.f32 [tilespmem:s30], [sflag:$0x1], $0x20, s31, s29, $0xb8;
	[tilespmem:$0x8D00] =	vst v63  }
.LBB2_6:
0x7e: {  	_ =	swait.ge [sflag:s3], $0x1000;
	p1 =	sne.s32 s1, $0x1  }
.Ltmp3:
0x7f: {  	(pc) =	sbr.rel @p1 .LBB2_6-.Ltmp3, $4  }
0x80: {  	_ = 	snop  }
0x81: {  	s31 =	sadd.s32 $0x80, s31;
	[sflag:s3] =	ssyncset.done $0x0  }
0x82: {  	s1 =	sadd.s32 $0xFFFFFFFF, s1;
	[sflag:s3] =	ssyncadd.s32 $0xFFFFF000  }
0x83: {  	[spmem:s2] =	stream.indirect.scatter.add.f32 [tilespmem:s30], [sflag:$0x1], $0x20, s31, s29, $0xb8;
	[tilespmem:$0x8D00] =	vst v63  }
.LBB2_7:
0x84: {  	_ =	swait.ge [sflag:s3], $0x1000  }
0x85: {  	[sflag:s3] =	ssyncset.done $0x0  }
0x86: {  	[sflag:s3] =	ssyncadd.s32 $0xFFFFF000  }
0x87: {  	_ =	swait.ge [sflag:s3], $0x1000  }
0x88: {  	[sflag:s3] =	ssyncset.done $0x0  }
0x89: {  	[sflag:s3] =	ssyncadd.s32 $0xFFFFF000  }
0x8a: {  	_ =	swait.ge [sflag:s3], $0x1000  }
0x8b: {  	[sflag:s3] =	ssyncset.done $0x0  }
0x8c: {  	[sflag:s3] =	ssyncadd.s32 $0xFFFFF000  }
0x8d: {  	_ =	swait.ge [sflag:s3], $0x1000  }
0x8e: {  	s1 =	stileid.u32;
	s0 =	sadd.s32 $0x1, s0;
	[sflag:s3] =	ssyncset.done $0x0  }
0x8f: {  	s1 =	sshll.u32 s1, $0x6;
	p1 =	sne.s32 s0, s8;
	[sflag:s3] =	ssyncadd.s32 $0xFFFFF000  }
.Ltmp4:
0x90: {  	s1 =	sor.u32 $0x1C02, s1;
	[bflag:$0x0] =	sbarrier.arrive $0xFFFF;
	(pc) =	sbr.rel @p1 .LBB2_1-.Ltmp4, $4  }
0x91: {  	[hbm:s7], [sflag:s1] =	dma.local [spmem:s25], $0xA00  }
0x92: {  	_ =	swait.ge [sflag:s28], $0xA00  }
0x93: {  	[sflag:s28] =	ssyncset.done $0x0  }
0x94: {  	[sflag:s28] =	ssyncadd.s32 $0xFFFFF600  }
0x95: {  	_ =	sfence.sel $0x180000  }
0x96: {  	[bflag:$0x0] =	sbarrier.arrive $0xFFFF  }
0x97: {  	_ =	strace $0x90000047  }
0x98: {  	s0 =	stileid.u32;
	[bflag:$0x2] =	sbarrier.arrive $0xFFFF  }
0x99: {  	p0 =	sne.s32 s0, $0x0;
	s0 =	rddreg [dreg:$0x2]  }
0x9a: {  	s0 =	sadd.s32 @!p0 $0x100000, s0  }
0x9b: {  	[sflag:s0] =	ssyncadd.tile.s32 @!p0 $0x1;
	_ =	shalt  }
.Lfunc_end2:
_tile_overlayer_lowered:
.L_overlay_start_2:
0x9c: {  	(tag) =	ssettag $0x2  }
0x9d: {  	s0 =	rddreg [dreg:$0x0];
	s2 =	stileid.u32  }
0x9e: {  	s1 =	rddreg [dreg:$0x1];
	p0 =	sne.s32 s2, $0x0  }
0x9f: {  	s3 =	rddreg [dreg:$0x2];
	[bflag:$0x3] =	sbarrier.arrive $0xFFFF;
	s2 =	simm.s32 @!p0 $0x1C02  }
0xa0: {  	[timem:s3], [sflag:s2] =	dma.local @!p0 [hbm:s0], s1  }
0xa1: {  	s0 =	simm.s32 @!p0 $0x2  }
0xa2: {  	_ =	swait.ge @!p0 [sflag:s0], s1  }
0xa3: {  	s1 =	ssub.s32 @!p0 $0x0, s1;
	[sflag:s0] =	ssyncset.done @!p0 $0x0  }
0xa4: {  	[sflag:s0] =	ssyncadd.s32 @!p0 s1  }
0xa5: {  	[bflag:$0x3] =	sbarrier.arrive $0xFFFF  }
0xa6: {  	_ =	shalt  }

</sc_bundles>
